<compile_context>
chip_gen: v7x
topology: tpu7x:2x2x1
jax: 0.10.2.dev20260603
libtpu: 0.0.44.dev20260713+nightly
codegen_flags: <defaults>
</compile_context>

<pallas_src>
import jax
import jax.numpy as jnp
from jax import lax
from jax.experimental import pallas as pl
from jax.experimental.pallas import tpu as pltpu
from jax.experimental.pallas import tpu_sc as plsc

N_NODES = 10000
N_EDGES = 320000
NUM_SUBCORES = 16
N_PAD = 10240
BINS_PER_TILE = N_PAD // NUM_SUBCORES
LANES = 16
BLOCK = 8 * LANES
NUM_BLOCKS = N_EDGES // BLOCK
BLOCKS_PER_TILE = NUM_BLOCKS // NUM_SUBCORES
EXTRA_BLOCKS = NUM_BLOCKS - BLOCKS_PER_TILE * NUM_SUBCORES
E_MAIN = BLOCKS_PER_TILE * BLOCK
NCHUNK = 2
BLOCKS_PER_CHUNK = BLOCKS_PER_TILE // NCHUNK
E_CHUNK = E_MAIN // NCHUNK


def _sc_body(edge_hbm, out_hbm, idx_v, extra_v, hist_v, red_v, col_v, sum_v,
             sems, sem2):
    s = lax.axis_index("s")

    with jax.named_scope("stage"):
        copies = [
            pltpu.async_copy(
                edge_hbm.at[:, pl.ds(s * E_MAIN + k * E_CHUNK, E_CHUNK)],
                idx_v.at[:, pl.ds(k * E_CHUNK, E_CHUNK)], sems[k])
            for k in range(NCHUNK)
        ]
        tail = pltpu.async_copy(
            edge_hbm.at[:, pl.ds((BLOCKS_PER_TILE * NUM_SUBCORES
                                  + jnp.minimum(s, EXTRA_BLOCKS - 1)) * BLOCK,
                                 BLOCK)],
            extra_v, sem2)

        zero = jnp.zeros((LANES,), dtype=jnp.float32)

        def fill_zero(i, _):
            for u in range(8):
                hist_v[pl.ds((i * 8 + u) * LANES, LANES)] = zero
            return 0

        lax.fori_loop(0, N_PAD // (8 * LANES), fill_zero, 0)

    one = jnp.full((LANES,), 1.0, dtype=jnp.float32)

    with jax.named_scope("accum"):
        def accum(i, _):
            idxs = [idx_v[0, pl.ds(i * BLOCK + u * LANES, LANES)]
                    for u in range(8)]
            for idx in idxs:
                plsc.addupdate_scatter(hist_v, [idx], one)
            return 0

        for k in range(NCHUNK):
            copies[k].wait()
            lax.fori_loop(k * BLOCKS_PER_CHUNK, (k + 1) * BLOCKS_PER_CHUNK,
                          accum, 0)

        tail.wait()

        @pl.when(s < EXTRA_BLOCKS)
        def _():
            idxs = [extra_v[0, pl.ds(u * LANES, LANES)] for u in range(8)]
            for idx in idxs:
                plsc.addupdate_scatter(hist_v, [idx], one)

    with jax.named_scope("publish"):
        pltpu.sync_copy(hist_v, red_v.at[s])
        plsc.subcore_barrier()

    with jax.named_scope("gather"):
        pltpu.sync_copy(red_v.at[:, pl.ds(s * BINS_PER_TILE, BINS_PER_TILE)],
                        col_v)

    with jax.named_scope("reduce"):
        def reduce_vec(j, _):
            acc = one
            for r in range(NUM_SUBCORES):
                acc = acc + col_v[r, pl.ds(j * LANES, LANES)]
            sum_v[pl.ds(j * LANES, LANES)] = acc
            return 0

        lax.fori_loop(0, BINS_PER_TILE // LANES, reduce_vec, 0)

    with jax.named_scope("writeback"):
        last = N_NODES - (NUM_SUBCORES - 1) * BINS_PER_TILE

        @pl.when(s < NUM_SUBCORES - 1)
        def _():
            pltpu.sync_copy(
                sum_v.at[pl.ds(0, BINS_PER_TILE)],
                out_hbm.at[pl.ds(s * BINS_PER_TILE, BINS_PER_TILE)])

        @pl.when(s == NUM_SUBCORES - 1)
        def _():
            pltpu.sync_copy(
                sum_v.at[pl.ds(0, last)],
                out_hbm.at[pl.ds((NUM_SUBCORES - 1) * BINS_PER_TILE, last)])


@jax.jit
def _degree(edge_index):
    mesh = plsc.VectorSubcoreMesh(
        core_axis_name="c", subcore_axis_name="s",
        num_cores=1, num_subcores=NUM_SUBCORES)
    return pl.kernel(
        _sc_body,
        out_type=jax.ShapeDtypeStruct((N_NODES,), jnp.float32),
        mesh=mesh,
        scratch_types=[
            pltpu.VMEM((2, E_MAIN), jnp.int32),
            pltpu.VMEM((2, BLOCK), jnp.int32),
            pltpu.VMEM((N_PAD,), jnp.float32),
            pltpu.VMEM_SHARED((NUM_SUBCORES, N_PAD), jnp.float32),
            pltpu.VMEM((NUM_SUBCORES, BINS_PER_TILE), jnp.float32),
            pltpu.VMEM((BINS_PER_TILE,), jnp.float32),
            [pltpu.SemaphoreType.DMA] * NCHUNK,
            pltpu.SemaphoreType.DMA,
        ],
        compiler_params=pltpu.CompilerParams(needs_layout_passes=False),
    )(edge_index)


def kernel(edge_index, x):
    return _degree(edge_index)

# --- scband reference (transcript-rebuilt; emitter-appended) ---
"""Pipeline reference for scband-hook-degree-55637006353164 (READ-ONLY COPY).

The authoritative reference and input builder live on the scoring server;
editing this copy changes nothing except your own understanding.
"""

import jax, jax.numpy as jnp
import numpy as np

N_NODES = 10000
N_EDGES = 320000
D_FEAT = 128


def setup_inputs(seed: int = 0) -> dict:
    key = jax.random.key(seed)
    k1, k2 = jax.random.split(key)
    edge_index = jax.random.randint(k1, (2, N_EDGES), 0, N_NODES, dtype=jnp.int64 if jax.config.jax_enable_x64 else jnp.int32).astype(jnp.int32)
    x = jax.random.normal(k2, (N_NODES, D_FEAT), dtype=jnp.float32)
    return {"edge_index": edge_index, "x": x}


def reference(edge_index, x):
    # Faithful translation of HookDegree.forward
    E = edge_index.shape[1]
    N = x.shape[0]
    edge_weight = jnp.ones((E,), dtype=x.dtype).reshape(-1)
    loop_weight = jnp.full((N,), 1, dtype=x.dtype)
    edge_weight = jnp.concatenate([edge_weight, loop_weight], axis=0)
    # add_self_loops: append (i, i) for every node
    loop_index = jnp.arange(N, dtype=edge_index.dtype)
    edge_index_sl = jnp.concatenate([edge_index, jnp.stack([loop_index, loop_index], axis=0)], axis=1)
    # scatter_add of edge_weight by row (edge_index[0]) with dim_size = N
    deg = jax.ops.segment_sum(edge_weight, edge_index_sl[0], num_segments=N)
    return deg

if __name__ == "__main__":
    import jax
    _d = setup_inputs()
    print(jax.jit(kernel)(*tuple(_d.values())))

</pallas_src>

<mosaic_0001>
#map = affine_map<(d0, d1) -> (0, 0)>
#map1 = affine_map<(d0, d1) -> (0)>
module attributes {stable_mosaic.version = 14 : i64} {
  func.func @_sc_body(%arg0: i32, %arg1: i32, %arg2: memref<2x320000xi32, #tpu.memory_space<hbm>>, %arg3: memref<10000xf32, #tpu.memory_space<hbm>>, %arg4: memref<2x19968xi32, #tpu.memory_space<vmem>>, %arg5: memref<2x128xi32, #tpu.memory_space<vmem>>, %arg6: memref<10240xf32, #tpu.memory_space<vmem>>, %arg7: memref<16x10240xf32, #tpu.memory_space<vmem_shared>>, %arg8: memref<16x640xf32, #tpu.memory_space<vmem>>, %arg9: memref<640xf32, #tpu.memory_space<vmem>>, %arg10: memref<!tpu.dma_semaphore, #tpu.memory_space<semaphore_mem>>, %arg11: memref<!tpu.dma_semaphore, #tpu.memory_space<semaphore_mem>>, %arg12: memref<!tpu.dma_semaphore, #tpu.memory_space<semaphore_mem>>) attributes {dimension_semantics = [#tpu.dimension_semantics<core_parallel>, #tpu.dimension_semantics<subcore_parallel>], iteration_bounds = array<i64: 1, 16>, scalar_prefetch = 0 : i64, scratch_operands = 9 : i64, tpu.core_type = #tpu.core_type<sc_vector_subcore>, window_params = [{transform_indices = #map}, {transform_indices = #map1}]} {
    "tpu.trace_start"() <{level = 10 : i32, message = "stage"}> : () -> ()
    %mul3A = arith.constant 19968 : i32
    %mul3A_0 = arith.muli %arg1, %mul3A : i32
    %add3A = arith.constant 0 : i32
    %add3A_1 = arith.addi %mul3A_0, %add3A : i32
    %dma_start3A = arith.constant 0 : i32
    %dma_start3A_2 = arith.constant 0 : i32
    %dma_start3A_3 = tpu.memref_slice %arg4[%dma_start3A, %dma_start3A_2] : memref<2x19968xi32, #tpu.memory_space<vmem>> -> memref<2x9984xi32, #tpu.memory_space<vmem>>
    %dma_start3A_4 = arith.constant 0 : i32
    %dma_start3A_5 = tpu.memref_slice %arg2[%dma_start3A_4, %add3A_1] : memref<2x320000xi32, #tpu.memory_space<hbm>> -> memref<2x9984xi32, #tpu.memory_space<hbm>>
    %dma_start3A_6 = arith.constant 0 : i32
    %dma_start3A_7 = arith.constant 0 : i32
    %dma_start3A_8 = tpu.memref_slice %arg4[%dma_start3A_6, %dma_start3A_7] : memref<2x19968xi32, #tpu.memory_space<vmem>> -> memref<2x9984xi32, #tpu.memory_space<vmem>>
    %dma_start3A_9 = arith.constant 0 : i32
    %dma_start3A_10 = tpu.memref_slice %arg2[%dma_start3A_9, %add3A_1] : memref<2x320000xi32, #tpu.memory_space<hbm>> -> memref<2x9984xi32, #tpu.memory_space<hbm>>
    tpu.enqueue_dma source(%dma_start3A_10 : memref<2x9984xi32, #tpu.memory_space<hbm>>) target(%dma_start3A_8 : memref<2x9984xi32, #tpu.memory_space<vmem>>) target_semaphore(%arg10 : memref<!tpu.dma_semaphore, #tpu.memory_space<semaphore_mem>>)
    %mul3A_11 = arith.constant 19968 : i32
    %mul3A_12 = arith.muli %arg1, %mul3A_11 : i32
    %add3A_13 = arith.constant 9984 : i32
    %add3A_14 = arith.addi %mul3A_12, %add3A_13 : i32
    %dma_start3A_15 = arith.constant 0 : i32
    %dma_start3A_16 = arith.constant 9984 : i32
    %dma_start3A_17 = tpu.memref_slice %arg4[%dma_start3A_15, %dma_start3A_16] : memref<2x19968xi32, #tpu.memory_space<vmem>> -> memref<2x9984xi32, #tpu.memory_space<vmem>>
    %dma_start3A_18 = arith.constant 0 : i32
    %dma_start3A_19 = tpu.memref_slice %arg2[%dma_start3A_18, %add3A_14] : memref<2x320000xi32, #tpu.memory_space<hbm>> -> memref<2x9984xi32, #tpu.memory_space<hbm>>
    %dma_start3A_20 = arith.constant 0 : i32
    %dma_start3A_21 = arith.constant 9984 : i32
    %dma_start3A_22 = tpu.memref_slice %arg4[%dma_start3A_20, %dma_start3A_21] : memref<2x19968xi32, #tpu.memory_space<vmem>> -> memref<2x9984xi32, #tpu.memory_space<vmem>>
    %dma_start3A_23 = arith.constant 0 : i32
    %dma_start3A_24 = tpu.memref_slice %arg2[%dma_start3A_23, %add3A_14] : memref<2x320000xi32, #tpu.memory_space<hbm>> -> memref<2x9984xi32, #tpu.memory_space<hbm>>
    tpu.enqueue_dma source(%dma_start3A_24 : memref<2x9984xi32, #tpu.memory_space<hbm>>) target(%dma_start3A_22 : memref<2x9984xi32, #tpu.memory_space<vmem>>) target_semaphore(%arg11 : memref<!tpu.dma_semaphore, #tpu.memory_space<semaphore_mem>>)
    %min3A = arith.constant 3 : i32
    %min3A_25 = arith.minsi %arg1, %min3A : i32
    %add3A_26 = arith.constant 2496 : i32
    %add3A_27 = arith.addi %add3A_26, %min3A_25 : i32
    %mul3A_28 = arith.constant 128 : i32
    %mul3A_29 = arith.muli %add3A_27, %mul3A_28 : i32
    %dma_start3A_30 = arith.constant 0 : i32
    %dma_start3A_31 = tpu.memref_slice %arg2[%dma_start3A_30, %mul3A_29] : memref<2x320000xi32, #tpu.memory_space<hbm>> -> memref<2x128xi32, #tpu.memory_space<hbm>>
    %dma_start3A_32 = arith.constant 0 : i32
    %dma_start3A_33 = tpu.memref_slice %arg2[%dma_start3A_32, %mul3A_29] : memref<2x320000xi32, #tpu.memory_space<hbm>> -> memref<2x128xi32, #tpu.memory_space<hbm>>
    tpu.enqueue_dma source(%dma_start3A_33 : memref<2x128xi32, #tpu.memory_space<hbm>>) target(%arg5 : memref<2x128xi32, #tpu.memory_space<vmem>>) target_semaphore(%arg12 : memref<!tpu.dma_semaphore, #tpu.memory_space<semaphore_mem>>)
    %broadcast_in_dim3A = arith.constant 0.000000e+00 : f32
    %broadcast_in_dim3A_34 = vector.broadcast %broadcast_in_dim3A : f32 to vector<16xf32>
    %scan3A = arith.constant 0 : i32
    %scan3A_35 = arith.constant 0 : i32
    %scan3A_36 = arith.constant 80 : i32
    %scan3A_37 = arith.addi %scan3A_35, %scan3A_36 : i32
    %scan3A_38 = arith.constant 1 : i32
    %scan3A_39 = scf.for %scan3A_100 = %scan3A_35 to %scan3A_37 step %scan3A_38 iter_args(%scan3A_101 = %scan3A) -> (i32)  : i32 {
      %mul3A_102 = arith.constant 8 : i32
      %mul3A_103 = arith.muli %scan3A_100, %mul3A_102 : i32
      %add3A_104 = arith.constant 0 : i32
      %add3A_105 = arith.addi %mul3A_103, %add3A_104 : i32
      %mul3A_106 = arith.constant 16 : i32
      %mul3A_107 = arith.muli %add3A_105, %mul3A_106 : i32
      %swap3A = arith.index_cast %mul3A_107 : i32 to index
      %swap3A_108 = tpu.vector_load %arg6[%swap3A] {strides = array<i32>} : memref<10240xf32, #tpu.memory_space<vmem>>, vector<16xf32>,
      tpu.vector_store %arg6[%swap3A], %broadcast_in_dim3A_34 {strides = array<i32>} : memref<10240xf32, #tpu.memory_space<vmem>>, vector<16xf32>,
      %mul3A_109 = arith.constant 8 : i32
      %mul3A_110 = arith.muli %scan3A_100, %mul3A_109 : i32
      %add3A_111 = arith.constant 1 : i32
      %add3A_112 = arith.addi %mul3A_110, %add3A_111 : i32
      %mul3A_113 = arith.constant 16 : i32
      %mul3A_114 = arith.muli %add3A_112, %mul3A_113 : i32
      %swap3A_115 = arith.index_cast %mul3A_114 : i32 to index
      %swap3A_116 = tpu.vector_load %arg6[%swap3A_115] {strides = array<i32>} : memref<10240xf32, #tpu.memory_space<vmem>>, vector<16xf32>,
      tpu.vector_store %arg6[%swap3A_115], %broadcast_in_dim3A_34 {strides = array<i32>} : memref<10240xf32, #tpu.memory_space<vmem>>, vector<16xf32>,
      %mul3A_117 = arith.constant 8 : i32
      %mul3A_118 = arith.muli %scan3A_100, %mul3A_117 : i32
      %add3A_119 = arith.constant 2 : i32
      %add3A_120 = arith.addi %mul3A_118, %add3A_119 : i32
      %mul3A_121 = arith.constant 16 : i32
      %mul3A_122 = arith.muli %add3A_120, %mul3A_121 : i32
      %swap3A_123 = arith.index_cast %mul3A_122 : i32 to index
      %swap3A_124 = tpu.vector_load %arg6[%swap3A_123] {strides = array<i32>} : memref<10240xf32, #tpu.memory_space<vmem>>, vector<16xf32>,
      tpu.vector_store %arg6[%swap3A_123], %broadcast_in_dim3A_34 {strides = array<i32>} : memref<10240xf32, #tpu.memory_space<vmem>>, vector<16xf32>,
      %mul3A_125 = arith.constant 8 : i32
      %mul3A_126 = arith.muli %scan3A_100, %mul3A_125 : i32
      %add3A_127 = arith.constant 3 : i32
      %add3A_128 = arith.addi %mul3A_126, %add3A_127 : i32
      %mul3A_129 = arith.constant 16 : i32
      %mul3A_130 = arith.muli %add3A_128, %mul3A_129 : i32
      %swap3A_131 = arith.index_cast %mul3A_130 : i32 to index
      %swap3A_132 = tpu.vector_load %arg6[%swap3A_131] {strides = array<i32>} : memref<10240xf32, #tpu.memory_space<vmem>>, vector<16xf32>,
      tpu.vector_store %arg6[%swap3A_131], %broadcast_in_dim3A_34 {strides = array<i32>} : memref<10240xf32, #tpu.memory_space<vmem>>, vector<16xf32>,
      %mul3A_133 = arith.constant 8 : i32
      %mul3A_134 = arith.muli %scan3A_100, %mul3A_133 : i32
      %add3A_135 = arith.constant 4 : i32
      %add3A_136 = arith.addi %mul3A_134, %add3A_135 : i32
      %mul3A_137 = arith.constant 16 : i32
      %mul3A_138 = arith.muli %add3A_136, %mul3A_137 : i32
      %swap3A_139 = arith.index_cast %mul3A_138 : i32 to index
      %swap3A_140 = tpu.vector_load %arg6[%swap3A_139] {strides = array<i32>} : memref<10240xf32, #tpu.memory_space<vmem>>, vector<16xf32>,
      tpu.vector_store %arg6[%swap3A_139], %broadcast_in_dim3A_34 {strides = array<i32>} : memref<10240xf32, #tpu.memory_space<vmem>>, vector<16xf32>,
      %mul3A_141 = arith.constant 8 : i32
      %mul3A_142 = arith.muli %scan3A_100, %mul3A_141 : i32
      %add3A_143 = arith.constant 5 : i32
      %add3A_144 = arith.addi %mul3A_142, %add3A_143 : i32
      %mul3A_145 = arith.constant 16 : i32
      %mul3A_146 = arith.muli %add3A_144, %mul3A_145 : i32
      %swap3A_147 = arith.index_cast %mul3A_146 : i32 to index
      %swap3A_148 = tpu.vector_load %arg6[%swap3A_147] {strides = array<i32>} : memref<10240xf32, #tpu.memory_space<vmem>>, vector<16xf32>,
      tpu.vector_store %arg6[%swap3A_147], %broadcast_in_dim3A_34 {strides = array<i32>} : memref<10240xf32, #tpu.memory_space<vmem>>, vector<16xf32>,
      %mul3A_149 = arith.constant 8 : i32
      %mul3A_150 = arith.muli %scan3A_100, %mul3A_149 : i32
      %add3A_151 = arith.constant 6 : i32
      %add3A_152 = arith.addi %mul3A_150, %add3A_151 : i32
      %mul3A_153 = arith.constant 16 : i32
      %mul3A_154 = arith.muli %add3A_152, %mul3A_153 : i32
      %swap3A_155 = arith.index_cast %mul3A_154 : i32 to index
      %swap3A_156 = tpu.vector_load %arg6[%swap3A_155] {strides = array<i32>} : memref<10240xf32, #tpu.memory_space<vmem>>, vector<16xf32>,
      tpu.vector_store %arg6[%swap3A_155], %broadcast_in_dim3A_34 {strides = array<i32>} : memref<10240xf32, #tpu.memory_space<vmem>>, vector<16xf32>,
      %mul3A_157 = arith.constant 8 : i32
      %mul3A_158 = arith.muli %scan3A_100, %mul3A_157 : i32
      %add3A_159 = arith.constant 7 : i32
      %add3A_160 = arith.addi %mul3A_158, %add3A_159 : i32
      %mul3A_161 = arith.constant 16 : i32
      %mul3A_162 = arith.muli %add3A_160, %mul3A_161 : i32
      %swap3A_163 = arith.index_cast %mul3A_162 : i32 to index
      %swap3A_164 = tpu.vector_load %arg6[%swap3A_163] {strides = array<i32>} : memref<10240xf32, #tpu.memory_space<vmem>>, vector<16xf32>,
      tpu.vector_store %arg6[%swap3A_163], %broadcast_in_dim3A_34 {strides = array<i32>} : memref<10240xf32, #tpu.memory_space<vmem>>, vector<16xf32>,
      %scan3A_165 = arith.constant 0 : i32
      scf.yield %scan3A_165 : i32
    }
    %scan3A_40 = arith.constant 80 : i32
    %broadcast_in_dim3A_41 = arith.constant 1.000000e+00 : f32
    "tpu.trace_stop"() : () -> ()
    %broadcast_in_dim3A_42 = vector.broadcast %broadcast_in_dim3A_41 : f32 to vector<16xf32>
    "tpu.trace_start"() <{level = 10 : i32, message = "accum"}> : () -> ()
    %dma_wait3A = arith.constant 0 : i32
    %dma_wait3A_43 = arith.constant 0 : i32
    %dma_wait3A_44 = tpu.memref_slice %arg4[%dma_wait3A, %dma_wait3A_43] : memref<2x19968xi32, #tpu.memory_space<vmem>> -> memref<2x9984xi32, #tpu.memory_space<vmem>>
    %dma_wait3A_45 = arith.constant 0 : i32
    %dma_wait3A_46 = tpu.memref_slice %arg2[%dma_wait3A_45, %add3A_1] : memref<2x320000xi32, #tpu.memory_space<hbm>> -> memref<2x9984xi32, #tpu.memory_space<hbm>>
    %dma_wait3A_47 = arith.constant 0 : i32
    %dma_wait3A_48 = arith.constant 0 : i32
    %dma_wait3A_49 = tpu.memref_slice %arg4[%dma_wait3A_47, %dma_wait3A_48] : memref<2x19968xi32, #tpu.memory_space<vmem>> -> memref<2x9984xi32, #tpu.memory_space<vmem>>
    %dma_wait3A_50 = arith.constant 0 : i32
    %dma_wait3A_51 = tpu.memref_slice %arg2[%dma_wait3A_50, %add3A_1] : memref<2x320000xi32, #tpu.memory_space<hbm>> -> memref<2x9984xi32, #tpu.memory_space<hbm>>
    tpu.wait_dma2 semaphore(%arg10 : memref<!tpu.dma_semaphore, #tpu.memory_space<semaphore_mem>>) src(%dma_wait3A_51 : memref<2x9984xi32, #tpu.memory_space<hbm>>) dst(%dma_wait3A_49 : memref<2x9984xi32, #tpu.memory_space<vmem>>)
    %scan3A_52 = arith.constant 0 : i32
    %scan3A_53 = arith.constant 0 : i32
    %scan3A_54 = arith.constant 78 : i32
    %scan3A_55 = arith.addi %scan3A_53, %scan3A_54 : i32
    %scan3A_56 = arith.constant 1 : i32
    %scan3A_57 = scf.for %scan3A_100 = %scan3A_53 to %scan3A_55 step %scan3A_56 iter_args(%scan3A_101 = %scan3A_52) -> (i32)  : i32 {
      %mul3A_102 = arith.constant 128 : i32
      %mul3A_103 = arith.muli %scan3A_100, %mul3A_102 : i32
      %add3A_104 = arith.constant 0 : i32
      %add3A_105 = arith.addi %mul3A_103, %add3A_104 : i32
      %get3A = arith.constant 0 : i32
      %get3A_106 = arith.index_cast %get3A : i32 to index
      %get3A_107 = arith.index_cast %add3A_105 : i32 to index
      %get3A_108 = tpu.vector_load %arg4[%get3A_106, %get3A_107] {strides = array<i32>} : memref<2x19968xi32, #tpu.memory_space<vmem>>, vector<16xi32>,
      %mul3A_109 = arith.constant 128 : i32
      %mul3A_110 = arith.muli %scan3A_100, %mul3A_109 : i32
      %add3A_111 = arith.constant 16 : i32
      %add3A_112 = arith.addi %mul3A_110, %add3A_111 : i32
      %get3A_113 = arith.constant 0 : i32
      %get3A_114 = arith.index_cast %get3A_113 : i32 to index
      %get3A_115 = arith.index_cast %add3A_112 : i32 to index
      %get3A_116 = tpu.vector_load %arg4[%get3A_114, %get3A_115] {strides = array<i32>} : memref<2x19968xi32, #tpu.memory_space<vmem>>, vector<16xi32>,
      %mul3A_117 = arith.constant 128 : i32
      %mul3A_118 = arith.muli %scan3A_100, %mul3A_117 : i32
      %add3A_119 = arith.constant 32 : i32
      %add3A_120 = arith.addi %mul3A_118, %add3A_119 : i32
      %get3A_121 = arith.constant 0 : i32
      %get3A_122 = arith.index_cast %get3A_121 : i32 to index
      %get3A_123 = arith.index_cast %add3A_120 : i32 to index
      %get3A_124 = tpu.vector_load %arg4[%get3A_122, %get3A_123] {strides = array<i32>} : memref<2x19968xi32, #tpu.memory_space<vmem>>, vector<16xi32>,
      %mul3A_125 = arith.constant 128 : i32
      %mul3A_126 = arith.muli %scan3A_100, %mul3A_125 : i32
      %add3A_127 = arith.constant 48 : i32
      %add3A_128 = arith.addi %mul3A_126, %add3A_127 : i32
      %get3A_129 = arith.constant 0 : i32
      %get3A_130 = arith.index_cast %get3A_129 : i32 to index
      %get3A_131 = arith.index_cast %add3A_128 : i32 to index
      %get3A_132 = tpu.vector_load %arg4[%get3A_130, %get3A_131] {strides = array<i32>} : memref<2x19968xi32, #tpu.memory_space<vmem>>, vector<16xi32>,
      %mul3A_133 = arith.constant 128 : i32
      %mul3A_134 = arith.muli %scan3A_100, %mul3A_133 : i32
      %add3A_135 = arith.constant 64 : i32
      %add3A_136 = arith.addi %mul3A_134, %add3A_135 : i32
      %get3A_137 = arith.constant 0 : i32
      %get3A_138 = arith.index_cast %get3A_137 : i32 to index
      %get3A_139 = arith.index_cast %add3A_136 : i32 to index
      %get3A_140 = tpu.vector_load %arg4[%get3A_138, %get3A_139] {strides = array<i32>} : memref<2x19968xi32, #tpu.memory_space<vmem>>, vector<16xi32>,
      %mul3A_141 = arith.constant 128 : i32
      %mul3A_142 = arith.muli %scan3A_100, %mul3A_141 : i32
      %add3A_143 = arith.constant 80 : i32
      %add3A_144 = arith.addi %mul3A_142, %add3A_143 : i32
      %get3A_145 = arith.constant 0 : i32
      %get3A_146 = arith.index_cast %get3A_145 : i32 to index
      %get3A_147 = arith.index_cast %add3A_144 : i32 to index
      %get3A_148 = tpu.vector_load %arg4[%get3A_146, %get3A_147] {strides = array<i32>} : memref<2x19968xi32, #tpu.memory_space<vmem>>, vector<16xi32>,
      %mul3A_149 = arith.constant 128 : i32
      %mul3A_150 = arith.muli %scan3A_100, %mul3A_149 : i32
      %add3A_151 = arith.constant 96 : i32
      %add3A_152 = arith.addi %mul3A_150, %add3A_151 : i32
      %get3A_153 = arith.constant 0 : i32
      %get3A_154 = arith.index_cast %get3A_153 : i32 to index
      %get3A_155 = arith.index_cast %add3A_152 : i32 to index
      %get3A_156 = tpu.vector_load %arg4[%get3A_154, %get3A_155] {strides = array<i32>} : memref<2x19968xi32, #tpu.memory_space<vmem>>, vector<16xi32>,
      %mul3A_157 = arith.constant 128 : i32
      %mul3A_158 = arith.muli %scan3A_100, %mul3A_157 : i32
      %add3A_159 = arith.constant 112 : i32
      %add3A_160 = arith.addi %mul3A_158, %add3A_159 : i32
      %get3A_161 = arith.constant 0 : i32
      %get3A_162 = arith.index_cast %get3A_161 : i32 to index
      %get3A_163 = arith.index_cast %add3A_160 : i32 to index
      %get3A_164 = tpu.vector_load %arg4[%get3A_162, %get3A_163] {strides = array<i32>} : memref<2x19968xi32, #tpu.memory_space<vmem>>, vector<16xi32>,
      tpu.vector_store_idx %arg6[%get3A_108], %broadcast_in_dim3A_42 {add = true} : memref<10240xf32, #tpu.memory_space<vmem>>[vector<16xi32>], vector<16xf32>,
      tpu.vector_store_idx %arg6[%get3A_116], %broadcast_in_dim3A_42 {add = true} : memref<10240xf32, #tpu.memory_space<vmem>>[vector<16xi32>], vector<16xf32>,
      tpu.vector_store_idx %arg6[%get3A_124], %broadcast_in_dim3A_42 {add = true} : memref<10240xf32, #tpu.memory_space<vmem>>[vector<16xi32>], vector<16xf32>,
      tpu.vector_store_idx %arg6[%get3A_132], %broadcast_in_dim3A_42 {add = true} : memref<10240xf32, #tpu.memory_space<vmem>>[vector<16xi32>], vector<16xf32>,
      tpu.vector_store_idx %arg6[%get3A_140], %broadcast_in_dim3A_42 {add = true} : memref<10240xf32, #tpu.memory_space<vmem>>[vector<16xi32>], vector<16xf32>,
      tpu.vector_store_idx %arg6[%get3A_148], %broadcast_in_dim3A_42 {add = true} : memref<10240xf32, #tpu.memory_space<vmem>>[vector<16xi32>], vector<16xf32>,
      tpu.vector_store_idx %arg6[%get3A_156], %broadcast_in_dim3A_42 {add = true} : memref<10240xf32, #tpu.memory_space<vmem>>[vector<16xi32>], vector<16xf32>,
      tpu.vector_store_idx %arg6[%get3A_164], %broadcast_in_dim3A_42 {add = true} : memref<10240xf32, #tpu.memory_space<vmem>>[vector<16xi32>], vector<16xf32>,
      %scan3A_165 = arith.constant 0 : i32
      scf.yield %scan3A_165 : i32
    }
    %scan3A_58 = arith.constant 78 : i32
    %dma_wait3A_59 = arith.constant 0 : i32
    %dma_wait3A_60 = arith.constant 9984 : i32
    %dma_wait3A_61 = tpu.memref_slice %arg4[%dma_wait3A_59, %dma_wait3A_60] : memref<2x19968xi32, #tpu.memory_space<vmem>> -> memref<2x9984xi32, #tpu.memory_space<vmem>>
    %dma_wait3A_62 = arith.constant 0 : i32
    %dma_wait3A_63 = tpu.memref_slice %arg2[%dma_wait3A_62, %add3A_14] : memref<2x320000xi32, #tpu.memory_space<hbm>> -> memref<2x9984xi32, #tpu.memory_space<hbm>>
    %dma_wait3A_64 = arith.constant 0 : i32
    %dma_wait3A_65 = arith.constant 9984 : i32
    %dma_wait3A_66 = tpu.memref_slice %arg4[%dma_wait3A_64, %dma_wait3A_65] : memref<2x19968xi32, #tpu.memory_space<vmem>> -> memref<2x9984xi32, #tpu.memory_space<vmem>>
    %dma_wait3A_67 = arith.constant 0 : i32
    %dma_wait3A_68 = tpu.memref_slice %arg2[%dma_wait3A_67, %add3A_14] : memref<2x320000xi32, #tpu.memory_space<hbm>> -> memref<2x9984xi32, #tpu.memory_space<hbm>>
    tpu.wait_dma2 semaphore(%arg11 : memref<!tpu.dma_semaphore, #tpu.memory_space<semaphore_mem>>) src(%dma_wait3A_68 : memref<2x9984xi32, #tpu.memory_space<hbm>>) dst(%dma_wait3A_66 : memref<2x9984xi32, #tpu.memory_space<vmem>>)
    %scan3A_69 = arith.constant 0 : i32
    %scan3A_70 = arith.constant 78 : i32
    %scan3A_71 = arith.constant 78 : i32
    %scan3A_72 = arith.addi %scan3A_70, %scan3A_71 : i32
    %scan3A_73 = arith.constant 1 : i32
    %scan3A_74 = scf.for %scan3A_100 = %scan3A_70 to %scan3A_72 step %scan3A_73 iter_args(%scan3A_101 = %scan3A_69) -> (i32)  : i32 {
      %mul3A_102 = arith.constant 128 : i32
      %mul3A_103 = arith.muli %scan3A_100, %mul3A_102 : i32
      %add3A_104 = arith.constant 0 : i32
      %add3A_105 = arith.addi %mul3A_103, %add3A_104 : i32
      %get3A = arith.constant 0 : i32
      %get3A_106 = arith.index_cast %get3A : i32 to index
      %get3A_107 = arith.index_cast %add3A_105 : i32 to index
      %get3A_108 = tpu.vector_load %arg4[%get3A_106, %get3A_107] {strides = array<i32>} : memref<2x19968xi32, #tpu.memory_space<vmem>>, vector<16xi32>,
      %mul3A_109 = arith.constant 128 : i32
      %mul3A_110 = arith.muli %scan3A_100, %mul3A_109 : i32
      %add3A_111 = arith.constant 16 : i32
      %add3A_112 = arith.addi %mul3A_110, %add3A_111 : i32
      %get3A_113 = arith.constant 0 : i32
      %get3A_114 = arith.index_cast %get3A_113 : i32 to index
      %get3A_115 = arith.index_cast %add3A_112 : i32 to index
      %get3A_116 = tpu.vector_load %arg4[%get3A_114, %get3A_115] {strides = array<i32>} : memref<2x19968xi32, #tpu.memory_space<vmem>>, vector<16xi32>,
      %mul3A_117 = arith.constant 128 : i32
      %mul3A_118 = arith.muli %scan3A_100, %mul3A_117 : i32
      %add3A_119 = arith.constant 32 : i32
      %add3A_120 = arith.addi %mul3A_118, %add3A_119 : i32
      %get3A_121 = arith.constant 0 : i32
      %get3A_122 = arith.index_cast %get3A_121 : i32 to index
      %get3A_123 = arith.index_cast %add3A_120 : i32 to index
      %get3A_124 = tpu.vector_load %arg4[%get3A_122, %get3A_123] {strides = array<i32>} : memref<2x19968xi32, #tpu.memory_space<vmem>>, vector<16xi32>,
      %mul3A_125 = arith.constant 128 : i32
      %mul3A_126 = arith.muli %scan3A_100, %mul3A_125 : i32
      %add3A_127 = arith.constant 48 : i32
      %add3A_128 = arith.addi %mul3A_126, %add3A_127 : i32
      %get3A_129 = arith.constant 0 : i32
      %get3A_130 = arith.index_cast %get3A_129 : i32 to index
      %get3A_131 = arith.index_cast %add3A_128 : i32 to index
      %get3A_132 = tpu.vector_load %arg4[%get3A_130, %get3A_131] {strides = array<i32>} : memref<2x19968xi32, #tpu.memory_space<vmem>>, vector<16xi32>,
      %mul3A_133 = arith.constant 128 : i32
      %mul3A_134 = arith.muli %scan3A_100, %mul3A_133 : i32
      %add3A_135 = arith.constant 64 : i32
      %add3A_136 = arith.addi %mul3A_134, %add3A_135 : i32
      %get3A_137 = arith.constant 0 : i32
      %get3A_138 = arith.index_cast %get3A_137 : i32 to index
      %get3A_139 = arith.index_cast %add3A_136 : i32 to index
      %get3A_140 = tpu.vector_load %arg4[%get3A_138, %get3A_139] {strides = array<i32>} : memref<2x19968xi32, #tpu.memory_space<vmem>>, vector<16xi32>,
      %mul3A_141 = arith.constant 128 : i32
      %mul3A_142 = arith.muli %scan3A_100, %mul3A_141 : i32
      %add3A_143 = arith.constant 80 : i32
      %add3A_144 = arith.addi %mul3A_142, %add3A_143 : i32
      %get3A_145 = arith.constant 0 : i32
      %get3A_146 = arith.index_cast %get3A_145 : i32 to index
      %get3A_147 = arith.index_cast %add3A_144 : i32 to index
      %get3A_148 = tpu.vector_load %arg4[%get3A_146, %get3A_147] {strides = array<i32>} : memref<2x19968xi32, #tpu.memory_space<vmem>>, vector<16xi32>,
      %mul3A_149 = arith.constant 128 : i32
      %mul3A_150 = arith.muli %scan3A_100, %mul3A_149 : i32
      %add3A_151 = arith.constant 96 : i32
      %add3A_152 = arith.addi %mul3A_150, %add3A_151 : i32
      %get3A_153 = arith.constant 0 : i32
      %get3A_154 = arith.index_cast %get3A_153 : i32 to index
      %get3A_155 = arith.index_cast %add3A_152 : i32 to index
      %get3A_156 = tpu.vector_load %arg4[%get3A_154, %get3A_155] {strides = array<i32>} : memref<2x19968xi32, #tpu.memory_space<vmem>>, vector<16xi32>,
      %mul3A_157 = arith.constant 128 : i32
      %mul3A_158 = arith.muli %scan3A_100, %mul3A_157 : i32
      %add3A_159 = arith.constant 112 : i32
      %add3A_160 = arith.addi %mul3A_158, %add3A_159 : i32
      %get3A_161 = arith.constant 0 : i32
      %get3A_162 = arith.index_cast %get3A_161 : i32 to index
      %get3A_163 = arith.index_cast %add3A_160 : i32 to index
      %get3A_164 = tpu.vector_load %arg4[%get3A_162, %get3A_163] {strides = array<i32>} : memref<2x19968xi32, #tpu.memory_space<vmem>>, vector<16xi32>,
      tpu.vector_store_idx %arg6[%get3A_108], %broadcast_in_dim3A_42 {add = true} : memref<10240xf32, #tpu.memory_space<vmem>>[vector<16xi32>], vector<16xf32>,
      tpu.vector_store_idx %arg6[%get3A_116], %broadcast_in_dim3A_42 {add = true} : memref<10240xf32, #tpu.memory_space<vmem>>[vector<16xi32>], vector<16xf32>,
      tpu.vector_store_idx %arg6[%get3A_124], %broadcast_in_dim3A_42 {add = true} : memref<10240xf32, #tpu.memory_space<vmem>>[vector<16xi32>], vector<16xf32>,
      tpu.vector_store_idx %arg6[%get3A_132], %broadcast_in_dim3A_42 {add = true} : memref<10240xf32, #tpu.memory_space<vmem>>[vector<16xi32>], vector<16xf32>,
      tpu.vector_store_idx %arg6[%get3A_140], %broadcast_in_dim3A_42 {add = true} : memref<10240xf32, #tpu.memory_space<vmem>>[vector<16xi32>], vector<16xf32>,
      tpu.vector_store_idx %arg6[%get3A_148], %broadcast_in_dim3A_42 {add = true} : memref<10240xf32, #tpu.memory_space<vmem>>[vector<16xi32>], vector<16xf32>,
      tpu.vector_store_idx %arg6[%get3A_156], %broadcast_in_dim3A_42 {add = true} : memref<10240xf32, #tpu.memory_space<vmem>>[vector<16xi32>], vector<16xf32>,
      tpu.vector_store_idx %arg6[%get3A_164], %broadcast_in_dim3A_42 {add = true} : memref<10240xf32, #tpu.memory_space<vmem>>[vector<16xi32>], vector<16xf32>,
      %scan3A_165 = arith.constant 0 : i32
      scf.yield %scan3A_165 : i32
    }
    %scan3A_75 = arith.constant 78 : i32
    %dma_wait3A_76 = arith.constant 0 : i32
    %dma_wait3A_77 = tpu.memref_slice %arg2[%dma_wait3A_76, %mul3A_29] : memref<2x320000xi32, #tpu.memory_space<hbm>> -> memref<2x128xi32, #tpu.memory_space<hbm>>
    %dma_wait3A_78 = arith.constant 0 : i32
    %dma_wait3A_79 = tpu.memref_slice %arg2[%dma_wait3A_78, %mul3A_29] : memref<2x320000xi32, #tpu.memory_space<hbm>> -> memref<2x128xi32, #tpu.memory_space<hbm>>
    tpu.wait_dma2 semaphore(%arg12 : memref<!tpu.dma_semaphore, #tpu.memory_space<semaphore_mem>>) src(%dma_wait3A_79 : memref<2x128xi32, #tpu.memory_space<hbm>>) dst(%arg5 : memref<2x128xi32, #tpu.memory_space<vmem>>)
    %lt3A = arith.constant 4 : i32
    %lt3A_80 = arith.cmpi slt, %arg1, %lt3A : i32
    %convert_element_type3A = arith.extui %lt3A_80 : i1 to i32
    %cond3A = arith.constant 0 : i32
    %cond3A_81 = arith.cmpi ne, %convert_element_type3A, %cond3A : i32
    scf.if %cond3A_81 {
      %get3A = arith.constant 0 : i32
      %get3A_100 = arith.index_cast %get3A : i32 to index
      %get3A_101 = arith.constant 0 : index
      %get3A_102 = tpu.vector_load %arg5[%get3A_100, %get3A_101] {strides = array<i32>} : memref<2x128xi32, #tpu.memory_space<vmem>>, vector<16xi32>,
      %get3A_103 = arith.constant 0 : i32
      %get3A_104 = arith.index_cast %get3A_103 : i32 to index
      %get3A_105 = arith.constant 16 : index
      %get3A_106 = tpu.vector_load %arg5[%get3A_104, %get3A_105] {strides = array<i32>} : memref<2x128xi32, #tpu.memory_space<vmem>>, vector<16xi32>,
      %get3A_107 = arith.constant 0 : i32
      %get3A_108 = arith.index_cast %get3A_107 : i32 to index
      %get3A_109 = arith.constant 32 : index
      %get3A_110 = tpu.vector_load %arg5[%get3A_108, %get3A_109] {strides = array<i32>} : memref<2x128xi32, #tpu.memory_space<vmem>>, vector<16xi32>,
      %get3A_111 = arith.constant 0 : i32
      %get3A_112 = arith.index_cast %get3A_111 : i32 to index
      %get3A_113 = arith.constant 48 : index
      %get3A_114 = tpu.vector_load %arg5[%get3A_112, %get3A_113] {strides = array<i32>} : memref<2x128xi32, #tpu.memory_space<vmem>>, vector<16xi32>,
      %get3A_115 = arith.constant 0 : i32
      %get3A_116 = arith.index_cast %get3A_115 : i32 to index
      %get3A_117 = arith.constant 64 : index
      %get3A_118 = tpu.vector_load %arg5[%get3A_116, %get3A_117] {strides = array<i32>} : memref<2x128xi32, #tpu.memory_space<vmem>>, vector<16xi32>,
      %get3A_119 = arith.constant 0 : i32
      %get3A_120 = arith.index_cast %get3A_119 : i32 to index
      %get3A_121 = arith.constant 80 : index
      %get3A_122 = tpu.vector_load %arg5[%get3A_120, %get3A_121] {strides = array<i32>} : memref<2x128xi32, #tpu.memory_space<vmem>>, vector<16xi32>,
      %get3A_123 = arith.constant 0 : i32
      %get3A_124 = arith.index_cast %get3A_123 : i32 to index
      %get3A_125 = arith.constant 96 : index
      %get3A_126 = tpu.vector_load %arg5[%get3A_124, %get3A_125] {strides = array<i32>} : memref<2x128xi32, #tpu.memory_space<vmem>>, vector<16xi32>,
      %get3A_127 = arith.constant 0 : i32
      %get3A_128 = arith.index_cast %get3A_127 : i32 to index
      %get3A_129 = arith.constant 112 : index
      %get3A_130 = tpu.vector_load %arg5[%get3A_128, %get3A_129] {strides = array<i32>} : memref<2x128xi32, #tpu.memory_space<vmem>>, vector<16xi32>,
      tpu.vector_store_idx %arg6[%get3A_102], %broadcast_in_dim3A_42 {add = true} : memref<10240xf32, #tpu.memory_space<vmem>>[vector<16xi32>], vector<16xf32>,
      tpu.vector_store_idx %arg6[%get3A_106], %broadcast_in_dim3A_42 {add = true} : memref<10240xf32, #tpu.memory_space<vmem>>[vector<16xi32>], vector<16xf32>,
      tpu.vector_store_idx %arg6[%get3A_110], %broadcast_in_dim3A_42 {add = true} : memref<10240xf32, #tpu.memory_space<vmem>>[vector<16xi32>], vector<16xf32>,
      tpu.vector_store_idx %arg6[%get3A_114], %broadcast_in_dim3A_42 {add = true} : memref<10240xf32, #tpu.memory_space<vmem>>[vector<16xi32>], vector<16xf32>,
      tpu.vector_store_idx %arg6[%get3A_118], %broadcast_in_dim3A_42 {add = true} : memref<10240xf32, #tpu.memory_space<vmem>>[vector<16xi32>], vector<16xf32>,
      tpu.vector_store_idx %arg6[%get3A_122], %broadcast_in_dim3A_42 {add = true} : memref<10240xf32, #tpu.memory_space<vmem>>[vector<16xi32>], vector<16xf32>,
      tpu.vector_store_idx %arg6[%get3A_126], %broadcast_in_dim3A_42 {add = true} : memref<10240xf32, #tpu.memory_space<vmem>>[vector<16xi32>], vector<16xf32>,
      tpu.vector_store_idx %arg6[%get3A_130], %broadcast_in_dim3A_42 {add = true} : memref<10240xf32, #tpu.memory_space<vmem>>[vector<16xi32>], vector<16xf32>,
    } else {
    }
    "tpu.trace_stop"() : () -> ()
    "tpu.trace_start"() <{level = 10 : i32, message = "publish"}> : () -> ()
    "tpu.region"() ({
      %run_scoped3A = tpu.sem_alloc : memref<!tpu.dma_semaphore, #tpu.memory_space<semaphore_mem>>
      %dma_start3A_100 = arith.constant 0 : i32
      %dma_start3A_101 = tpu.memref_slice %arg7[%arg1, %dma_start3A_100] : memref<16x10240xf32, #tpu.memory_space<vmem_shared>> -> memref<1x10240xf32, #tpu.memory_space<vmem_shared>>
      %dma_start3A_102 = tpu.memref_squeeze %dma_start3A_101 : memref<1x10240xf32, #tpu.memory_space<vmem_shared>> -> memref<10240xf32, #tpu.memory_space<vmem_shared>>
      %dma_start3A_103 = arith.constant 0 : i32
      %dma_start3A_104 = tpu.memref_slice %arg7[%arg1, %dma_start3A_103] : memref<16x10240xf32, #tpu.memory_space<vmem_shared>> -> memref<1x10240xf32, #tpu.memory_space<vmem_shared>>
      %dma_start3A_105 = tpu.memref_squeeze %dma_start3A_104 : memref<1x10240xf32, #tpu.memory_space<vmem_shared>> -> memref<10240xf32, #tpu.memory_space<vmem_shared>>
      tpu.enqueue_dma source(%arg6 : memref<10240xf32, #tpu.memory_space<vmem>>) target(%dma_start3A_105 : memref<10240xf32, #tpu.memory_space<vmem_shared>>) target_semaphore(%run_scoped3A : memref<!tpu.dma_semaphore, #tpu.memory_space<semaphore_mem>>)
      %dma_wait3A_106 = arith.constant 0 : i32
      %dma_wait3A_107 = tpu.memref_slice %arg7[%arg1, %dma_wait3A_106] : memref<16x10240xf32, #tpu.memory_space<vmem_shared>> -> memref<1x10240xf32, #tpu.memory_space<vmem_shared>>
      %dma_wait3A_108 = tpu.memref_squeeze %dma_wait3A_107 : memref<1x10240xf32, #tpu.memory_space<vmem_shared>> -> memref<10240xf32, #tpu.memory_space<vmem_shared>>
      %dma_wait3A_109 = arith.constant 0 : i32
      %dma_wait3A_110 = tpu.memref_slice %arg7[%arg1, %dma_wait3A_109] : memref<16x10240xf32, #tpu.memory_space<vmem_shared>> -> memref<1x10240xf32, #tpu.memory_space<vmem_shared>>
      %dma_wait3A_111 = tpu.memref_squeeze %dma_wait3A_110 : memref<1x10240xf32, #tpu.memory_space<vmem_shared>> -> memref<10240xf32, #tpu.memory_space<vmem_shared>>
      tpu.wait_dma2 semaphore(%run_scoped3A : memref<!tpu.dma_semaphore, #tpu.memory_space<semaphore_mem>>) src(%arg6 : memref<10240xf32, #tpu.memory_space<vmem>>) dst(%dma_wait3A_111 : memref<10240xf32, #tpu.memory_space<vmem_shared>>)
      tpu.yield
    }) : () -> ()
    %barrier3A = arith.constant 0 : index
    tpu.barrier barrier_id(%barrier3A)
    "tpu.trace_stop"() : () -> ()
    "tpu.trace_start"() <{level = 10 : i32, message = "gather"}> : () -> ()
    %mul3A_82 = arith.constant 640 : i32
    %mul3A_83 = arith.muli %arg1, %mul3A_82 : i32
    "tpu.region"() ({
      %run_scoped3A = tpu.sem_alloc : memref<!tpu.dma_semaphore, #tpu.memory_space<semaphore_mem>>
      %dma_start3A_100 = arith.constant 0 : i32
      %dma_start3A_101 = tpu.memref_slice %arg7[%dma_start3A_100, %mul3A_83] : memref<16x10240xf32, #tpu.memory_space<vmem_shared>> -> memref<16x640xf32, #tpu.memory_space<vmem_shared>>
      %dma_start3A_102 = arith.constant 0 : i32
      %dma_start3A_103 = tpu.memref_slice %arg7[%dma_start3A_102, %mul3A_83] : memref<16x10240xf32, #tpu.memory_space<vmem_shared>> -> memref<16x640xf32, #tpu.memory_space<vmem_shared>>
      tpu.enqueue_dma source(%dma_start3A_103 : memref<16x640xf32, #tpu.memory_space<vmem_shared>>) target(%arg8 : memref<16x640xf32, #tpu.memory_space<vmem>>) target_semaphore(%run_scoped3A : memref<!tpu.dma_semaphore, #tpu.memory_space<semaphore_mem>>)
      %dma_wait3A_104 = arith.constant 0 : i32
      %dma_wait3A_105 = tpu.memref_slice %arg7[%dma_wait3A_104, %mul3A_83] : memref<16x10240xf32, #tpu.memory_space<vmem_shared>> -> memref<16x640xf32, #tpu.memory_space<vmem_shared>>
      %dma_wait3A_106 = arith.constant 0 : i32
      %dma_wait3A_107 = tpu.memref_slice %arg7[%dma_wait3A_106, %mul3A_83] : memref<16x10240xf32, #tpu.memory_space<vmem_shared>> -> memref<16x640xf32, #tpu.memory_space<vmem_shared>>
      tpu.wait_dma2 semaphore(%run_scoped3A : memref<!tpu.dma_semaphore, #tpu.memory_space<semaphore_mem>>) src(%dma_wait3A_107 : memref<16x640xf32, #tpu.memory_space<vmem_shared>>) dst(%arg8 : memref<16x640xf32, #tpu.memory_space<vmem>>)
      tpu.yield
    }) : () -> ()
    "tpu.trace_stop"() : () -> ()
    "tpu.trace_start"() <{level = 10 : i32, message = "reduce"}> : () -> ()
    %scan3A_84 = arith.constant 0 : i32
    %scan3A_85 = arith.constant 0 : i32
    %scan3A_86 = arith.constant 40 : i32
    %scan3A_87 = arith.addi %scan3A_85, %scan3A_86 : i32
    %scan3A_88 = arith.constant 1 : i32
    %scan3A_89 = scf.for %scan3A_100 = %scan3A_85 to %scan3A_87 step %scan3A_88 iter_args(%scan3A_101 = %scan3A_84) -> (i32)  : i32 {
      %mul3A_102 = arith.constant 16 : i32
      %mul3A_103 = arith.muli %scan3A_100, %mul3A_102 : i32
      %get3A = arith.constant 0 : i32
      %get3A_104 = arith.index_cast %get3A : i32 to index
      %get3A_105 = arith.index_cast %mul3A_103 : i32 to index
      %get3A_106 = tpu.vector_load %arg8[%get3A_104, %get3A_105] {strides = array<i32>} : memref<16x640xf32, #tpu.memory_space<vmem>>, vector<16xf32>,
      %add3A_107 = arith.addf %broadcast_in_dim3A_42, %get3A_106 : vector<16xf32>
      %mul3A_108 = arith.constant 16 : i32
      %mul3A_109 = arith.muli %scan3A_100, %mul3A_108 : i32
      %get3A_110 = arith.constant 1 : i32
      %get3A_111 = arith.index_cast %get3A_110 : i32 to index
      %get3A_112 = arith.index_cast %mul3A_109 : i32 to index
      %get3A_113 = tpu.vector_load %arg8[%get3A_111, %get3A_112] {strides = array<i32>} : memref<16x640xf32, #tpu.memory_space<vmem>>, vector<16xf32>,
      %add3A_114 = arith.addf %add3A_107, %get3A_113 : vector<16xf32>
      %mul3A_115 = arith.constant 16 : i32
      %mul3A_116 = arith.muli %scan3A_100, %mul3A_115 : i32
      %get3A_117 = arith.constant 2 : i32
      %get3A_118 = arith.index_cast %get3A_117 : i32 to index
      %get3A_119 = arith.index_cast %mul3A_116 : i32 to index
      %get3A_120 = tpu.vector_load %arg8[%get3A_118, %get3A_119] {strides = array<i32>} : memref<16x640xf32, #tpu.memory_space<vmem>>, vector<16xf32>,
      %add3A_121 = arith.addf %add3A_114, %get3A_120 : vector<16xf32>
      %mul3A_122 = arith.constant 16 : i32
      %mul3A_123 = arith.muli %scan3A_100, %mul3A_122 : i32
      %get3A_124 = arith.constant 3 : i32
      %get3A_125 = arith.index_cast %get3A_124 : i32 to index
      %get3A_126 = arith.index_cast %mul3A_123 : i32 to index
      %get3A_127 = tpu.vector_load %arg8[%get3A_125, %get3A_126] {strides = array<i32>} : memref<16x640xf32, #tpu.memory_space<vmem>>, vector<16xf32>,
      %add3A_128 = arith.addf %add3A_121, %get3A_127 : vector<16xf32>
      %mul3A_129 = arith.constant 16 : i32
      %mul3A_130 = arith.muli %scan3A_100, %mul3A_129 : i32
      %get3A_131 = arith.constant 4 : i32
      %get3A_132 = arith.index_cast %get3A_131 : i32 to index
      %get3A_133 = arith.index_cast %mul3A_130 : i32 to index
      %get3A_134 = tpu.vector_load %arg8[%get3A_132, %get3A_133] {strides = array<i32>} : memref<16x640xf32, #tpu.memory_space<vmem>>, vector<16xf32>,
      %add3A_135 = arith.addf %add3A_128, %get3A_134 : vector<16xf32>
      %mul3A_136 = arith.constant 16 : i32
      %mul3A_137 = arith.muli %scan3A_100, %mul3A_136 : i32
      %get3A_138 = arith.constant 5 : i32
      %get3A_139 = arith.index_cast %get3A_138 : i32 to index
      %get3A_140 = arith.index_cast %mul3A_137 : i32 to index
      %get3A_141 = tpu.vector_load %arg8[%get3A_139, %get3A_140] {strides = array<i32>} : memref<16x640xf32, #tpu.memory_space<vmem>>, vector<16xf32>,
      %add3A_142 = arith.addf %add3A_135, %get3A_141 : vector<16xf32>
      %mul3A_143 = arith.constant 16 : i32
      %mul3A_144 = arith.muli %scan3A_100, %mul3A_143 : i32
      %get3A_145 = arith.constant 6 : i32
      %get3A_146 = arith.index_cast %get3A_145 : i32 to index
      %get3A_147 = arith.index_cast %mul3A_144 : i32 to index
      %get3A_148 = tpu.vector_load %arg8[%get3A_146, %get3A_147] {strides = array<i32>} : memref<16x640xf32, #tpu.memory_space<vmem>>, vector<16xf32>,
      %add3A_149 = arith.addf %add3A_142, %get3A_148 : vector<16xf32>
      %mul3A_150 = arith.constant 16 : i32
      %mul3A_151 = arith.muli %scan3A_100, %mul3A_150 : i32
      %get3A_152 = arith.constant 7 : i32
      %get3A_153 = arith.index_cast %get3A_152 : i32 to index
      %get3A_154 = arith.index_cast %mul3A_151 : i32 to index
      %get3A_155 = tpu.vector_load %arg8[%get3A_153, %get3A_154] {strides = array<i32>} : memref<16x640xf32, #tpu.memory_space<vmem>>, vector<16xf32>,
      %add3A_156 = arith.addf %add3A_149, %get3A_155 : vector<16xf32>
      %mul3A_157 = arith.constant 16 : i32
      %mul3A_158 = arith.muli %scan3A_100, %mul3A_157 : i32
      %get3A_159 = arith.constant 8 : i32
      %get3A_160 = arith.index_cast %get3A_159 : i32 to index
      %get3A_161 = arith.index_cast %mul3A_158 : i32 to index
      %get3A_162 = tpu.vector_load %arg8[%get3A_160, %get3A_161] {strides = array<i32>} : memref<16x640xf32, #tpu.memory_space<vmem>>, vector<16xf32>,
      %add3A_163 = arith.addf %add3A_156, %get3A_162 : vector<16xf32>
      %mul3A_164 = arith.constant 16 : i32
      %mul3A_165 = arith.muli %scan3A_100, %mul3A_164 : i32
      %get3A_166 = arith.constant 9 : i32
      %get3A_167 = arith.index_cast %get3A_166 : i32 to index
      %get3A_168 = arith.index_cast %mul3A_165 : i32 to index
      %get3A_169 = tpu.vector_load %arg8[%get3A_167, %get3A_168] {strides = array<i32>} : memref<16x640xf32, #tpu.memory_space<vmem>>, vector<16xf32>,
      %add3A_170 = arith.addf %add3A_163, %get3A_169 : vector<16xf32>
      %mul3A_171 = arith.constant 16 : i32
      %mul3A_172 = arith.muli %scan3A_100, %mul3A_171 : i32
      %get3A_173 = arith.constant 10 : i32
      %get3A_174 = arith.index_cast %get3A_173 : i32 to index
      %get3A_175 = arith.index_cast %mul3A_172 : i32 to index
      %get3A_176 = tpu.vector_load %arg8[%get3A_174, %get3A_175] {strides = array<i32>} : memref<16x640xf32, #tpu.memory_space<vmem>>, vector<16xf32>,
      %add3A_177 = arith.addf %add3A_170, %get3A_176 : vector<16xf32>
      %mul3A_178 = arith.constant 16 : i32
      %mul3A_179 = arith.muli %scan3A_100, %mul3A_178 : i32
      %get3A_180 = arith.constant 11 : i32
      %get3A_181 = arith.index_cast %get3A_180 : i32 to index
      %get3A_182 = arith.index_cast %mul3A_179 : i32 to index
      %get3A_183 = tpu.vector_load %arg8[%get3A_181, %get3A_182] {strides = array<i32>} : memref<16x640xf32, #tpu.memory_space<vmem>>, vector<16xf32>,
      %add3A_184 = arith.addf %add3A_177, %get3A_183 : vector<16xf32>
      %mul3A_185 = arith.constant 16 : i32
      %mul3A_186 = arith.muli %scan3A_100, %mul3A_185 : i32
      %get3A_187 = arith.constant 12 : i32
      %get3A_188 = arith.index_cast %get3A_187 : i32 to index
      %get3A_189 = arith.index_cast %mul3A_186 : i32 to index
      %get3A_190 = tpu.vector_load %arg8[%get3A_188, %get3A_189] {strides = array<i32>} : memref<16x640xf32, #tpu.memory_space<vmem>>, vector<16xf32>,
      %add3A_191 = arith.addf %add3A_184, %get3A_190 : vector<16xf32>
      %mul3A_192 = arith.constant 16 : i32
      %mul3A_193 = arith.muli %scan3A_100, %mul3A_192 : i32
      %get3A_194 = arith.constant 13 : i32
      %get3A_195 = arith.index_cast %get3A_194 : i32 to index
      %get3A_196 = arith.index_cast %mul3A_193 : i32 to index
      %get3A_197 = tpu.vector_load %arg8[%get3A_195, %get3A_196] {strides = array<i32>} : memref<16x640xf32, #tpu.memory_space<vmem>>, vector<16xf32>,
      %add3A_198 = arith.addf %add3A_191, %get3A_197 : vector<16xf32>
      %mul3A_199 = arith.constant 16 : i32
      %mul3A_200 = arith.muli %scan3A_100, %mul3A_199 : i32
      %get3A_201 = arith.constant 14 : i32
      %get3A_202 = arith.index_cast %get3A_201 : i32 to index
      %get3A_203 = arith.index_cast %mul3A_200 : i32 to index
      %get3A_204 = tpu.vector_load %arg8[%get3A_202, %get3A_203] {strides = array<i32>} : memref<16x640xf32, #tpu.memory_space<vmem>>, vector<16xf32>,
      %add3A_205 = arith.addf %add3A_198, %get3A_204 : vector<16xf32>
      %mul3A_206 = arith.constant 16 : i32
      %mul3A_207 = arith.muli %scan3A_100, %mul3A_206 : i32
      %get3A_208 = arith.constant 15 : i32
      %get3A_209 = arith.index_cast %get3A_208 : i32 to index
      %get3A_210 = arith.index_cast %mul3A_207 : i32 to index
      %get3A_211 = tpu.vector_load %arg8[%get3A_209, %get3A_210] {strides = array<i32>} : memref<16x640xf32, #tpu.memory_space<vmem>>, vector<16xf32>,
      %add3A_212 = arith.addf %add3A_205, %get3A_211 : vector<16xf32>
      %mul3A_213 = arith.constant 16 : i32
      %mul3A_214 = arith.muli %scan3A_100, %mul3A_213 : i32
      %swap3A = arith.index_cast %mul3A_214 : i32 to index
      %swap3A_215 = tpu.vector_load %arg9[%swap3A] {strides = array<i32>} : memref<640xf32, #tpu.memory_space<vmem>>, vector<16xf32>,
      tpu.vector_store %arg9[%swap3A], %add3A_212 {strides = array<i32>} : memref<640xf32, #tpu.memory_space<vmem>>, vector<16xf32>,
      %scan3A_216 = arith.constant 0 : i32
      scf.yield %scan3A_216 : i32
    }
    %scan3A_90 = arith.constant 40 : i32
    %lt3A_91 = arith.constant 15 : i32
    "tpu.trace_stop"() : () -> ()
    "tpu.trace_start"() <{level = 10 : i32, message = "writeback"}> : () -> ()
    %lt3A_92 = arith.cmpi slt, %arg1, %lt3A_91 : i32
    %convert_element_type3A_93 = arith.extui %lt3A_92 : i1 to i32
    %cond3A_94 = arith.constant 0 : i32
    %cond3A_95 = arith.cmpi ne, %convert_element_type3A_93, %cond3A_94 : i32
    scf.if %cond3A_95 {
      %mul3A_100 = arith.constant 640 : i32
      %mul3A_101 = arith.muli %arg1, %mul3A_100 : i32
      "tpu.region"() ({
        %run_scoped3A = tpu.sem_alloc : memref<!tpu.dma_semaphore, #tpu.memory_space<semaphore_mem>>
        %dma_start3A_102 = arith.constant 0 : i32
        %dma_start3A_103 = tpu.memref_slice %arg9[%dma_start3A_102] : memref<640xf32, #tpu.memory_space<vmem>> -> memref<640xf32, #tpu.memory_space<vmem>>
        %dma_start3A_104 = tpu.memref_slice %arg3[%mul3A_101] : memref<10000xf32, #tpu.memory_space<hbm>> -> memref<640xf32, #tpu.memory_space<hbm>>
        %dma_start3A_105 = tpu.memref_slice %arg3[%mul3A_101] : memref<10000xf32, #tpu.memory_space<hbm>> -> memref<640xf32, #tpu.memory_space<hbm>>
        %dma_start3A_106 = arith.constant 0 : i32
        %dma_start3A_107 = tpu.memref_slice %arg9[%dma_start3A_106] : memref<640xf32, #tpu.memory_space<vmem>> -> memref<640xf32, #tpu.memory_space<vmem>>
        tpu.enqueue_dma source(%dma_start3A_107 : memref<640xf32, #tpu.memory_space<vmem>>) target(%dma_start3A_105 : memref<640xf32, #tpu.memory_space<hbm>>) target_semaphore(%run_scoped3A : memref<!tpu.dma_semaphore, #tpu.memory_space<semaphore_mem>>)
        %dma_wait3A_108 = arith.constant 0 : i32
        %dma_wait3A_109 = tpu.memref_slice %arg9[%dma_wait3A_108] : memref<640xf32, #tpu.memory_space<vmem>> -> memref<640xf32, #tpu.memory_space<vmem>>
        %dma_wait3A_110 = tpu.memref_slice %arg3[%mul3A_101] : memref<10000xf32, #tpu.memory_space<hbm>> -> memref<640xf32, #tpu.memory_space<hbm>>
        %dma_wait3A_111 = tpu.memref_slice %arg3[%mul3A_101] : memref<10000xf32, #tpu.memory_space<hbm>> -> memref<640xf32, #tpu.memory_space<hbm>>
        %dma_wait3A_112 = arith.constant 0 : i32
        %dma_wait3A_113 = tpu.memref_slice %arg9[%dma_wait3A_112] : memref<640xf32, #tpu.memory_space<vmem>> -> memref<640xf32, #tpu.memory_space<vmem>>
        tpu.wait_dma2 semaphore(%run_scoped3A : memref<!tpu.dma_semaphore, #tpu.memory_space<semaphore_mem>>) src(%dma_wait3A_113 : memref<640xf32, #tpu.memory_space<vmem>>) dst(%dma_wait3A_111 : memref<640xf32, #tpu.memory_space<hbm>>)
        tpu.yield
      }) : () -> ()
    } else {
    }
    %eq3A = arith.constant 15 : i32
    %eq3A_96 = arith.cmpi eq, %arg1, %eq3A : i32
    %convert_element_type3A_97 = arith.extui %eq3A_96 : i1 to i32
    %cond3A_98 = arith.constant 0 : i32
    %cond3A_99 = arith.cmpi ne, %convert_element_type3A_97, %cond3A_98 : i32
    scf.if %cond3A_99 {
      "tpu.region"() ({
        %run_scoped3A = tpu.sem_alloc : memref<!tpu.dma_semaphore, #tpu.memory_space<semaphore_mem>>
        %dma_start3A_100 = arith.constant 0 : i32
        %dma_start3A_101 = tpu.memref_slice %arg9[%dma_start3A_100] : memref<640xf32, #tpu.memory_space<vmem>> -> memref<400xf32, #tpu.memory_space<vmem>>
        %dma_start3A_102 = arith.constant 9600 : i32
        %dma_start3A_103 = tpu.memref_slice %arg3[%dma_start3A_102] : memref<10000xf32, #tpu.memory_space<hbm>> -> memref<400xf32, #tpu.memory_space<hbm>>
        %dma_start3A_104 = arith.constant 9600 : i32
        %dma_start3A_105 = tpu.memref_slice %arg3[%dma_start3A_104] : memref<10000xf32, #tpu.memory_space<hbm>> -> memref<400xf32, #tpu.memory_space<hbm>>
        %dma_start3A_106 = arith.constant 0 : i32
        %dma_start3A_107 = tpu.memref_slice %arg9[%dma_start3A_106] : memref<640xf32, #tpu.memory_space<vmem>> -> memref<400xf32, #tpu.memory_space<vmem>>
        tpu.enqueue_dma source(%dma_start3A_107 : memref<400xf32, #tpu.memory_space<vmem>>) target(%dma_start3A_105 : memref<400xf32, #tpu.memory_space<hbm>>) target_semaphore(%run_scoped3A : memref<!tpu.dma_semaphore, #tpu.memory_space<semaphore_mem>>)
        %dma_wait3A_108 = arith.constant 0 : i32
        %dma_wait3A_109 = tpu.memref_slice %arg9[%dma_wait3A_108] : memref<640xf32, #tpu.memory_space<vmem>> -> memref<400xf32, #tpu.memory_space<vmem>>
        %dma_wait3A_110 = arith.constant 9600 : i32
        %dma_wait3A_111 = tpu.memref_slice %arg3[%dma_wait3A_110] : memref<10000xf32, #tpu.memory_space<hbm>> -> memref<400xf32, #tpu.memory_space<hbm>>
        %dma_wait3A_112 = arith.constant 9600 : i32
        %dma_wait3A_113 = tpu.memref_slice %arg3[%dma_wait3A_112] : memref<10000xf32, #tpu.memory_space<hbm>> -> memref<400xf32, #tpu.memory_space<hbm>>
        %dma_wait3A_114 = arith.constant 0 : i32
        %dma_wait3A_115 = tpu.memref_slice %arg9[%dma_wait3A_114] : memref<640xf32, #tpu.memory_space<vmem>> -> memref<400xf32, #tpu.memory_space<vmem>>
        tpu.wait_dma2 semaphore(%run_scoped3A : memref<!tpu.dma_semaphore, #tpu.memory_space<semaphore_mem>>) src(%dma_wait3A_115 : memref<400xf32, #tpu.memory_space<vmem>>) dst(%dma_wait3A_113 : memref<400xf32, #tpu.memory_space<hbm>>)
        tpu.yield
      }) : () -> ()
    } else {
    }
    "tpu.trace_stop"() : () -> ()
    return
  }
}

</mosaic_0001>

<sc_bundles>
// kernel: _degree.3.cloned.1.call-start
scs
__scs_entry_jumppad:
0x0: {  	(pc) =	sbr.rel $0x88, $3  }
0x1: {  	(tag) =	ssettag $0x0;
	lr =	simm.s32 $0x1  }
0x2: {  	[smem:$0x3FA0] =	sst lr;
	_ =	strace $0xD0000000  }
0x3: {  	_ = 	snop  }
0x4: {  	_ = 	snop  }
0x5: {  	_ = 	snop  }
0x6: {  	_ = 	snop  }
0x7: {  	_ = 	snop  }
__scs_overlays_trampoline_lowered:
0x8: {  	[smem:$0x3FAF] =	sst s0  }
0x9: {  	[smem:$0x3FB0] =	sst s1  }
0xa: {  	[smem:$0x3FB1] =	sst s2  }
0xb: {  	[smem:$0x3FB2] =	sst s3  }
0xc: {  	[smem:$0x3FB3] =	sst s4  }
0xd: {  	[smem:$0x3FB4] =	sst s5  }
0xe: {  	[smem:$0x3FB5] =	sst s6  }
0xf: {  	[smem:$0x3FB6] =	sst s7  }
0x10: {  	[smem:$0x3FB7] =	sst s8  }
0x11: {  	[smem:$0x3FB8] =	sst s9;
	s0 =	simm.s32 @!p0 $0x0  }
0x12: {  	s1 =	sld [smem:$0x3F9E];
	s0 =	simm.s32 @p0 $0x1  }
0x13: {  	[smem:$0x3FB9] =	sst s0;
	s0 =	simm.s32 @!p1 $0x0  }
0x14: {  	s2 =	sld [smem:$0x3F9D];
	s0 =	simm.s32 @p1 $0x1  }
0x15: {  	[smem:$0x3FBA] =	sst s0;
	s0 =	simm.s32 @!p2 $0x0  }
0x16: {  	s3 =	sld [smem:$0x3FDB];
	s0 =	simm.s32 @p2 $0x1  }
0x17: {  	s4 =	simm.s32 $0x1BF5;
	[smem:$0x3FBC] =	sst s0  }
0x18: {  	s0 =	sld [smem:$0x3F9F];
	_ =	swait.ge [sflag:s4], $0x0  }
0x19: {  	s7 =	sld [smem:$0x3FA0]  }
0x1a: {  	s8 =	sadd.s32 $0xFFFFE003, lr  }
0x1b: {  	s9 =	sadd.s32 $0xFFFFFEF7, lr;
	s5 =	simm.s32 $0xFFFFFFFF;
	p2 =	slt.u32 s8, $0xFFFFF086  }
0x1c: {  	p1 =	slt.u32 s9, $0xF7A;
	s5 =	simm.s32 @!p2 $0x0  }
0x1d: {  	s5 =	simm.s32 @p1 $0x1;
	p0 =	seq.s32 s7, s2  }
0x1e: {  	s7 =	smul.u32 @!p0 $0xF7A, s2;
	p2 =	seq.s32 @!p0 s5, $0x0  }
0x1f: {  	s9 =	smul.u32 $0xF7A, s1;
	s8 =	simm.s32 @!p0 $0x1BF5;
	p2 =	por !p2, p0  }
0x20: {  	[sflag:s8] =	ssyncset.s32 @!p0 $0xFFFFF086;
	s6 =	sadd.s32 @!p0 s3, s7;
	s7 =	simm.s32 @!p0 $0x108  }
0x21: {  	s3 =	sadd.s32 s3, s9;
	s6 =	sadd.s32 @!p0 $0x88, s6;
	s7 =	simm.s32 @p2 $0x1082  }
0x22: {  	[simem:s7], [sflag:s8] =	dma.local @!p0 [hbm:s6], $0xF7A  }
0x23: {  	s9 =	sor.u32 $0xD0000000, s2;
	s6 =	simm.s32 $0x108;
	_ =	swait.ge @!p0 [sflag:s8], $0x0  }
0x24: {  	s3 =	sadd.s32 $0x88, s3;
	s6 =	simm.s32 @!p1 $0x1082;
	[sflag:s4] =	ssyncset.s32 $0xFFFFF086  }
0x25: {  	[simem:s6], [sflag:s4] =	dma.local [hbm:s3], $0xF7A  }
0x26: {  	[smem:$0x3FA0] =	sst s1;
	(tag) =	ssettag s2;
	_ =	strace s9  }
0x27: {  	s1 =	sld [smem:$0x3FB0]  }
0x28: {  	s2 =	sld [smem:$0x3FB1]  }
0x29: {  	s4 =	sld [smem:$0x3FB3]  }
0x2a: {  	p0 =	seq.s32 s5, $0x0;
	s5 =	sld [smem:$0x3FB4]  }
0x2b: {  	s6 =	sld [smem:$0x3FB5]  }
0x2c: {  	s7 =	sld [smem:$0x3FB6]  }
0x2d: {  	s3 =	simm.s32 $0x108;
	s8 =	sld [smem:$0x3FB7]  }
0x2e: {  	s3 =	simm.s32 @!p0 $0x1082;
	s9 =	sld [smem:$0x3FB8]  }
0x2f: {  	lr =	sadd.s32 s0, s3;
	s0 =	sld [smem:$0x3FAF]  }
0x30: {  	s3 =	sld [smem:$0x3FB2]  }
0x31: {  	[smem:$0x3FBB] =	sst s10  }
0x32: {  	s10 =	sld [smem:$0x3FB9];
	_ =	sdelay $0x3  }
0x33: {  	p0 =	seq.s32 s10, $0x1;
	s10 =	sld [smem:$0x3FBB];
	_ =	sdelay $0x3  }
0x34: {  	[smem:$0x3FBB] =	sst s10  }
0x35: {  	s10 =	sld [smem:$0x3FBA];
	_ =	sdelay $0x3  }
0x36: {  	p1 =	seq.s32 s10, $0x1;
	s10 =	sld [smem:$0x3FBB];
	_ =	sdelay $0x3  }
0x37: {  	[smem:$0x3FBB] =	sst s10  }
0x38: {  	s10 =	sld [smem:$0x3FBC]  }
0x39: {  	_ = 	snop;
	(pc) =	sbr.ind lr, $3  }
0x3a: {  	_ = 	snop  }
0x3b: {  	_ = 	snop  }
0x3c: {  	p2 =	seq.s32 s10, $0x1;
	s10 =	sld [smem:$0x3FBB]  }
0x3d: {  	_ =	shalt  }
0x3e: {  	_ =	shalt  }
0x3f: {  	_ =	shalt  }
0x40: {  	_ =	shalt  }
0x41: {  	_ =	shalt  }
0x42: {  	_ =	shalt  }
0x43: {  	_ =	shalt  }
0x44: {  	_ =	shalt  }
0x45: {  	_ =	shalt  }
0x46: {  	_ =	shalt  }
0x47: {  	_ =	shalt  }
0x48: {  	_ =	shalt  }
0x49: {  	_ =	shalt  }
0x4a: {  	_ =	shalt  }
0x4b: {  	_ =	shalt  }
0x4c: {  	_ =	shalt  }
0x4d: {  	_ =	shalt  }
0x4e: {  	_ =	shalt  }
0x4f: {  	_ =	shalt  }
0x50: {  	_ =	shalt  }
0x51: {  	_ =	shalt  }
0x52: {  	_ =	shalt  }
0x53: {  	_ =	shalt  }
0x54: {  	_ =	shalt  }
0x55: {  	_ =	shalt  }
0x56: {  	_ =	shalt  }
0x57: {  	_ =	shalt  }
0x58: {  	_ =	shalt  }
0x59: {  	_ =	shalt  }
0x5a: {  	_ =	shalt  }
0x5b: {  	_ =	shalt  }
0x5c: {  	_ =	shalt  }
0x5d: {  	_ =	shalt  }
0x5e: {  	_ =	shalt  }
0x5f: {  	_ =	shalt  }
0x60: {  	_ =	shalt  }
0x61: {  	_ =	shalt  }
0x62: {  	_ =	shalt  }
0x63: {  	_ =	shalt  }
0x64: {  	_ =	shalt  }
0x65: {  	_ =	shalt  }
0x66: {  	_ =	shalt  }
0x67: {  	_ =	shalt  }
0x68: {  	_ =	shalt  }
0x69: {  	_ =	shalt  }
0x6a: {  	_ =	shalt  }
0x6b: {  	_ =	shalt  }
0x6c: {  	_ =	shalt  }
0x6d: {  	_ =	shalt  }
0x6e: {  	_ =	shalt  }
0x6f: {  	_ =	shalt  }
0x70: {  	_ =	shalt  }
0x71: {  	_ =	shalt  }
0x72: {  	_ =	shalt  }
0x73: {  	_ =	shalt  }
0x74: {  	_ =	shalt  }
0x75: {  	_ =	shalt  }
0x76: {  	_ =	shalt  }
0x77: {  	_ =	shalt  }
0x78: {  	_ =	shalt  }
0x79: {  	_ =	shalt  }
0x7a: {  	_ =	shalt  }
0x7b: {  	_ =	shalt  }
0x7c: {  	_ =	shalt  }
0x7d: {  	_ =	shalt  }
0x7e: {  	_ =	shalt  }
0x7f: {  	_ =	shalt  }
0x80: {  	_ =	shalt  }
0x81: {  	_ =	shalt  }
0x82: {  	_ =	shalt  }
0x83: {  	_ =	shalt  }
0x84: {  	_ =	shalt  }
0x85: {  	_ =	shalt  }
0x86: {  	_ =	shalt  }
0x87: {  	_ =	shalt  }
.Lfunc_end0:
.L_simem_size_0:
called_computation_lowered:
.L_overlay_start_0:
0x88: {  	s0 =	sld [smem:$0x3FD9]  }
0x89: {  	s1 =	sld [smem:$0x3FFE];
	_ =	sdelay $0x3  }
0x8a: {  	s0 =	sadd.s32 s1, s0  }
0x8b: {  	[smem:$0x3FC7] =	sst s0  }
0x8c: {  	_ = 	snop  }
0x8d: {  	s0 =	sld [smem:$0x3FC9]  }
0x8e: {  	s17 =	sld [smem:$0x3FD0];
	(tm) =	ssettm $0x1  }
0x8f: {  	s2 =	sld [smem:$0x3FFB];
	_ =	sdelay $0x3  }
0x90: {  	_ =	strace s2  }
0x91: {  	s2 =	sld [smem:$0x3FFC];
	_ =	sdelay $0x3  }
0x92: {  	_ =	strace s2  }
0x93: {  	s2 =	sld [smem:$0x3FFD];
	_ =	sdelay $0x3  }
0x94: {  	_ =	strace s2  }
0x95: {  	_ =	strace $0x8FFFFFFF  }
0x96: {  	s18 =	sld [smem:$0x3FDB];
	_ =	sdelay $0x1  }
0x97: {  	s3 =	simm.s32 $_scs_section_size  }
0x98: {  	s4 =	simm.s32 $_size__tile_overlayer_lowered;
	s5 =	simm.s32 $_tile_overlayer_lowered  }
0x99: {  	s21 =	simm.s32 $0x1BFF;
	s20 =	sshll.u32 s5, $0x1;
	s2 =	sadd.s32 s3, s18  }
0x9a: {  	s6 =	simm.s32 $0x0;
	s19 =	sshll.u32 s4, $0x1;
	s4 =	sadd.s32 s20, s2  }
0x9b: {  	[timem:s6], [sflag:s21] =	dma.local [hbm:s4], s19  }
0x9c: {  	_ =	swait.ge [sflag:s21], s19  }
0x9d: {  	s3 =	ssub.s32 $0x0, s19;
	[sflag:s21] =	ssyncset.done $0x0  }
0x9e: {  	[sflag:s21] =	ssyncadd.s32 s3;
	_ =	sdelay $0x1  }
0x9f: {  	s22 =	simm.s32 $0x1B8B  }
0xa0: {  	_ =	swait.ge [sflag:s22], $0x1  }
0xa1: {  	[sflag:s22] =	ssyncset.done $0x0  }
0xa2: {  	s23 =	simm.s32 $0x1B8E;
	[sflag:s22] =	ssyncadd.s32 $0xFFFFFFFF  }
0xa3: {  	s24 =	simm.s32 $execute0_lowered;
	[smem:$0x3FD2] =	sst s23  }
0xa4: {  	s3 =	sshll.u32 s24, $0x1;
	_ =	strace $0x80000046;
	[dreg:$0x1] =	wrdreg $0xFFFFFFFF  }
0xa5: {  	s25 =	simm.s32 $_size_execute0_lowered;
	s2 =	sadd.s32 s2, s3;
	[dreg:$0x0] =	wrdreg $0x0  }
0xa6: {  	s3 =	sshll.u32 s25, $0x1;
	[dreg:$0x2] =	wrdreg s2  }
0xa7: {  	[dreg:$0x3] =	wrdreg s3  }
0xa8: {  	[dreg:$0x4] =	wrdreg $0xC0  }
0xa9: {  	_ =	task [dreg:s6], $0x5FFFF  }
0xaa: {  	[dreg:$0x1] =	wrdreg $0xFFFFFFFF  }
0xab: {  	[dreg:$0x0] =	wrdreg $0x60  }
0xac: {  	[dreg:$0x2] =	wrdreg s0  }
0xad: {  	[dreg:$0x3] =	wrdreg s17  }
0xae: {  	[dreg:$0x4] =	wrdreg $0xC5000  }
0xaf: {  	[dreg:$0x5] =	wrdreg $0x9  }
0xb0: {  	_ =	task.clear_ibuf [dreg:s6], $0x6FFFF;
	_ =	strace $0x90000046  }
0xb1: {  	s26 =	simm.s32 $0x9;
	_ =	strace $0x8000004E  }
0xb2: {  	_ =	swait.ge [sflag:s26], $0x1  }
0xb3: {  	[sflag:s26] =	ssyncadd.s32 $0xFFFFFFFF  }
0xb4: {  	_ =	strace $0x9000004E  }
0xb5: {  	_ =	sfence  }
0xb6: {  	s28 =	sld [smem:$0x0];
	_ =	sdelay $0x1  }
0xb7: {  	s29 =	srdreg.scid  }
0xb8: {  	s30 =	sshll.u32 s29, $0xD;
	s31 =	sshrl.u32 s29, $0x2  }
0xb9: {  	s1 =	sand.u32 $0x1, s29;
	s2 =	sand.u32 $0x4000, s30;
	s0 =	sadd.s32 s31, s28  }
0xba: {  	s1 =	sor.u32 s2, s1;
	s0 =	sshll.u32 s0, $0x11  }
0xbb: {  	s0 =	sor.u32 s0, s1  }
0xbc: {  	s0 =	sadd.s32 $0x8F2B, s0  }
0xbd: {  	[sflag:s0] =	ssyncadd.remote.s32 $0x1  }
0xbe: {  	_ =	sfence.sel $0xFFFF  }
0xbf: {  	[dreg:$0x0] =	wrdreg $0xFFFFFFFF;
	(pc) =	sbr.abs _section_cstart, $3  }
0xc0: {  	[dreg:$0x1] =	wrdreg $0xFFFFFFFF  }
0xc1: {  	_ =	task.clear_ibuf [dreg:s6], $0x2FFFF;
	_ =	strace $0x9FFFFFFF  }
0xc2: {  	(tm) =	ssettm $0x7FFFFFFF  }
0xc3: {  	_ =	shalt  }
tec
execute0_lowered:
.L_overlay_start_1:
0x0: {  	(tag) =	ssettag $0x1  }
0x1: {  	s4 =	rddreg [dreg:$0x0]  }
0x2: {  	s2 =	rddreg [dreg:$0x1]  }
0x3: {  	s3 =	rddreg [dreg:$0x2];
	s1 =	stileid.u32  }
0x4: {  	s0 =	rddreg [dreg:$0x3];
	s5 =	simm.s32 $0x0;
	s7 =	smul.u32 $0x9C00, s1  }
0x5: {  	s6 =	smul.u32 $0x1380, s1;
	[smem:$0x7FF] =	sst s5;
	s8 =	smin.u32 s1, $0x3  }
0x6: {  	_ =	strace $0x80000047;
	s8 =	sshll.u32 s8, $0x5;
	s7 =	sshrl.u32 s7, $0x3  }
0x7: {  	s6 =	sadd.s32 s4, s6;
	_ =	strace $0x80000048;
	s7 =	sadd.s32 s4, s7  }
0x8: {  	[tilespmem:s5], [sflag:$0x1] =	stream.linear.gather [hbm4b:s6+s5], $0x4E00, $0x200038;
	[tilespmem:$0x11780] =	vst v63  }
0x9: {  	s30 =	simm.s32 $0x4E00;
	s4 =	sadd.s32 s8, s4;
	s29 =	sadd.s32 $0x9C0, s7  }
0xa: {  	[tilespmem:s30], [sflag:$0x2] =	stream.linear.gather [hbm4b:s29+s5], $0x4E00, $0x200038;
	[tilespmem:$0x11780] =	vst v63  }
0xb: {  	s31 =	simm.s32 $0x9C00;
	s4 =	sadd.s32 $0x13800, s4  }
0xc: {  	[tilespmem:s31], [sflag:$0x3] =	stream.linear.gather [hbm4b:s4+s5], $0x100, $0x200038;
	[tilespmem:$0x11780] =	vst v63  }
0xd: {  	v0 =	vimm.f32 $0.0e+00;
	s4 =	simm.s32 $0x0;
	s5 =	simm.s32 $0x200  }
.LBB2_1:
0xe: {  	p0 =	sne.s32 s5, $0x9E00;
	[tilespmem:s4+$0x9D70] =	vst v0  }
0xf: {  	[tilespmem:s4+$0x9D00] =	vst v0  }
0x10: {  	[tilespmem:s4+$0x9D10] =	vst v0  }
.Ltmp0:
0x11: {  	[tilespmem:s4+$0x9D20] =	vst v0;
	(pc) =	sbr.rel @p0 .LBB2_1-.Ltmp0, $4  }
0x12: {  	[tilespmem:s4+$0x9D30] =	vst v0  }
0x13: {  	[tilespmem:s4+$0x9D40] =	vst v0  }
0x14: {  	[tilespmem:s4+$0x9D50] =	vst v0  }
0x15: {  	[tilespmem:s4+$0x9D60] =	vst v0;
	s4 =	sshra.s32 s5, $0x2;
	s5 =	sadd.s32 $0x200, s5  }
0x16: {  	[tilespmem:s4+$0x9D70] =	vst v0  }
0x17: {  	[tilespmem:s4+$0x9D00] =	vst v0  }
0x18: {  	[tilespmem:s4+$0x9D10] =	vst v0  }
0x19: {  	[tilespmem:s4+$0x9D20] =	vst v0  }
0x1a: {  	[tilespmem:s4+$0x9D30] =	vst v0  }
0x1b: {  	[tilespmem:s4+$0x9D40] =	vst v0  }
0x1c: {  	[tilespmem:s4+$0x9D50] =	vst v0  }
0x1d: {  	[tilespmem:s4+$0x9D60] =	vst v0  }
0x1e: {  	_ =	strace $0x90000048  }
0x1f: {  	s31 =	simm.s32 $0x1;
	_ =	strace $0x80000049  }
0x20: {  	_ =	swait.ge [sflag:s31], $0x4E00  }
0x21: {  	[sflag:s31] =	ssyncset.done $0x0  }
0x22: {  	s5 =	simm.s32 $0x0;
	[sflag:s31] =	ssyncadd.s32 $0xFFFFB200  }
0x23: {  	v2 =	vld [tilespmem:s5+$0x0]  }
0x24: {  	v3 =	vld [tilespmem:s5+$0x10]  }
0x25: {  	v4 =	vld [tilespmem:s5+$0x20]  }
0x26: {  	v5 =	vld [tilespmem:s5+$0x30]  }
0x27: {  	v6 =	vld [tilespmem:s5+$0x40]  }
0x28: {  	v7 =	vld [tilespmem:s5+$0x50]  }
0x29: {  	v8 =	vld [tilespmem:s5+$0x60]  }
0x2a: {  	v0 =	vimm.f32 $1.000000000e+00;
	s4 =	simm.s32 $0x9D00;
	v1 =	vld [tilespmem:s5+$0x70]  }
0x2b: {  	[tilespmem:v2+s4+$0x0] =	vst.idx.add.f32.msk $0xffff, v0  }
0x2c: {  	[tilespmem:v3+s4+$0x0] =	vst.idx.add.f32.msk $0xffff, v0  }
0x2d: {  	[tilespmem:v4+s4+$0x0] =	vst.idx.add.f32.msk $0xffff, v0  }
0x2e: {  	[tilespmem:v5+s4+$0x0] =	vst.idx.add.f32.msk $0xffff, v0  }
0x2f: {  	[tilespmem:v6+s4+$0x0] =	vst.idx.add.f32.msk $0xffff, v0  }
0x30: {  	[tilespmem:v7+s4+$0x0] =	vst.idx.add.f32.msk $0xffff, v0  }
0x31: {  	s5 =	simm.s32 $0x400;
	[tilespmem:v8+s4+$0x0] =	vst.idx.add.f32.msk $0xffff, v0  }
.LBB2_3:
0x32: {  	s6 =	sshra.s32 s5, $0x2;
	p0 =	sne.s32 s5, $0x13400;
	s5 =	sadd.s32 $0x400, s5;
	[tilespmem:v1+s4+$0x0] =	vst.idx.add.f32.msk $0xffff, v0  }
0x33: {  	v2 =	vld [tilespmem:s6+$0x0]  }
0x34: {  	v3 =	vld [tilespmem:s6+$0x10]  }
0x35: {  	v4 =	vld [tilespmem:s6+$0x20]  }
0x36: {  	v5 =	vld [tilespmem:s6+$0x30]  }
0x37: {  	v6 =	vld [tilespmem:s6+$0x40]  }
0x38: {  	v7 =	vld [tilespmem:s6+$0x50]  }
0x39: {  	v8 =	vld [tilespmem:s6+$0x60]  }
0x3a: {  	v1 =	vld [tilespmem:s6+$0x70]  }
0x3b: {  	[tilespmem:v2+s4+$0x0] =	vst.idx.add.f32.msk $0xffff, v0  }
0x3c: {  	[tilespmem:v3+s4+$0x0] =	vst.idx.add.f32.msk $0xffff, v0  }
.Ltmp1:
0x3d: {  	[tilespmem:v4+s4+$0x0] =	vst.idx.add.f32.msk $0xffff, v0;
	(pc) =	sbr.rel @p0 .LBB2_3-.Ltmp1, $4  }
0x3e: {  	[tilespmem:v5+s4+$0x0] =	vst.idx.add.f32.msk $0xffff, v0  }
0x3f: {  	[tilespmem:v6+s4+$0x0] =	vst.idx.add.f32.msk $0xffff, v0  }
0x40: {  	[tilespmem:v7+s4+$0x0] =	vst.idx.add.f32.msk $0xffff, v0  }
0x41: {  	[tilespmem:v8+s4+$0x0] =	vst.idx.add.f32.msk $0xffff, v0  }
0x42: {  	_ =	sdelay $0x3  }
0x43: {  	[tilespmem:v1+s4+$0x0] =	vst.idx.add.f32.msk $0xffff, v0;
	s31 =	simm.s32 $0x2  }
0x44: {  	_ =	swait.ge [sflag:s31], $0x4E00  }
0x45: {  	[sflag:s31] =	ssyncset.done $0x0  }
0x46: {  	s5 =	simm.s32 $0x0;
	[sflag:s31] =	ssyncadd.s32 $0xFFFFB200  }
0x47: {  	v2 =	vld [tilespmem:s5+$0x4E00]  }
0x48: {  	v3 =	vld [tilespmem:s5+$0x4E10]  }
0x49: {  	v4 =	vld [tilespmem:s5+$0x4E20]  }
0x4a: {  	v5 =	vld [tilespmem:s5+$0x4E30]  }
0x4b: {  	v6 =	vld [tilespmem:s5+$0x4E40]  }
0x4c: {  	v7 =	vld [tilespmem:s5+$0x4E50]  }
0x4d: {  	v8 =	vld [tilespmem:s5+$0x4E60]  }
0x4e: {  	v0 =	vimm.f32 $1.000000000e+00;
	s4 =	simm.s32 $0x9D00;
	v1 =	vld [tilespmem:s5+$0x4E70]  }
0x4f: {  	[tilespmem:v2+s4+$0x0] =	vst.idx.add.f32.msk $0xffff, v0  }
0x50: {  	[tilespmem:v3+s4+$0x0] =	vst.idx.add.f32.msk $0xffff, v0  }
0x51: {  	[tilespmem:v4+s4+$0x0] =	vst.idx.add.f32.msk $0xffff, v0  }
0x52: {  	[tilespmem:v5+s4+$0x0] =	vst.idx.add.f32.msk $0xffff, v0  }
0x53: {  	[tilespmem:v6+s4+$0x0] =	vst.idx.add.f32.msk $0xffff, v0  }
0x54: {  	[tilespmem:v7+s4+$0x0] =	vst.idx.add.f32.msk $0xffff, v0  }
0x55: {  	s5 =	simm.s32 $0x400;
	[tilespmem:v8+s4+$0x0] =	vst.idx.add.f32.msk $0xffff, v0  }
.LBB2_5:
0x56: {  	s6 =	sshra.s32 s5, $0x2;
	p0 =	sne.s32 s5, $0x13400;
	s5 =	sadd.s32 $0x400, s5;
	[tilespmem:v1+s4+$0x0] =	vst.idx.add.f32.msk $0xffff, v0  }
0x57: {  	v2 =	vld [tilespmem:s6+$0x4E00]  }
0x58: {  	v3 =	vld [tilespmem:s6+$0x4E10]  }
0x59: {  	v4 =	vld [tilespmem:s6+$0x4E20]  }
0x5a: {  	v5 =	vld [tilespmem:s6+$0x4E30]  }
0x5b: {  	v6 =	vld [tilespmem:s6+$0x4E40]  }
0x5c: {  	v7 =	vld [tilespmem:s6+$0x4E50]  }
0x5d: {  	v8 =	vld [tilespmem:s6+$0x4E60]  }
0x5e: {  	v1 =	vld [tilespmem:s6+$0x4E70]  }
0x5f: {  	[tilespmem:v2+s4+$0x0] =	vst.idx.add.f32.msk $0xffff, v0  }
0x60: {  	[tilespmem:v3+s4+$0x0] =	vst.idx.add.f32.msk $0xffff, v0  }
.Ltmp2:
0x61: {  	[tilespmem:v4+s4+$0x0] =	vst.idx.add.f32.msk $0xffff, v0;
	(pc) =	sbr.rel @p0 .LBB2_5-.Ltmp2, $4  }
0x62: {  	[tilespmem:v5+s4+$0x0] =	vst.idx.add.f32.msk $0xffff, v0  }
0x63: {  	[tilespmem:v6+s4+$0x0] =	vst.idx.add.f32.msk $0xffff, v0  }
0x64: {  	[tilespmem:v7+s4+$0x0] =	vst.idx.add.f32.msk $0xffff, v0  }
0x65: {  	[tilespmem:v8+s4+$0x0] =	vst.idx.add.f32.msk $0xffff, v0  }
0x66: {  	_ =	sdelay $0x3  }
0x67: {  	[tilespmem:v1+s4+$0x0] =	vst.idx.add.f32.msk $0xffff, v0;
	s17 =	simm.s32 $0x3  }
0x68: {  	_ =	swait.ge [sflag:s17], $0x100  }
0x69: {  	[sflag:s17] =	ssyncset.done $0x0  }
0x6a: {  	p0 =	sgt.u32 s1, $0x3;
	[sflag:s17] =	ssyncadd.s32 $0xFFFFFF00  }
0x6b: {  	v0 =	vld @!p0 [tilespmem:$0x9C00]  }
0x6c: {  	v1 =	vld @!p0 [tilespmem:$0x9C10]  }
0x6d: {  	v2 =	vld @!p0 [tilespmem:$0x9C20]  }
0x6e: {  	v3 =	vld @!p0 [tilespmem:$0x9C30]  }
0x6f: {  	v4 =	vld @!p0 [tilespmem:$0x9C40]  }
0x70: {  	v5 =	vld @!p0 [tilespmem:$0x9C50]  }
0x71: {  	v6 =	vld @!p0 [tilespmem:$0x9C60]  }
0x72: {  	v8 =	vimm.f32 @!p0 $1.000000000e+00;
	s4 =	simm.s32 @!p0 $0x9D00;
	v7 =	vld @!p0 [tilespmem:$0x9C70]  }
0x73: {  	[tilespmem:v0+s4+$0x0] =	vst.idx.add.f32.msk @!p0 $0xffff, v8  }
0x74: {  	[tilespmem:v1+s4+$0x0] =	vst.idx.add.f32.msk @!p0 $0xffff, v8  }
0x75: {  	[tilespmem:v2+s4+$0x0] =	vst.idx.add.f32.msk @!p0 $0xffff, v8  }
0x76: {  	[tilespmem:v3+s4+$0x0] =	vst.idx.add.f32.msk @!p0 $0xffff, v8  }
0x77: {  	s5 =	sshrl.u32 s1, $0x3;
	[tilespmem:v4+s4+$0x0] =	vst.idx.add.f32.msk @!p0 $0xffff, v8  }
0x78: {  	s5 =	smul.u32 $0x50000, s5;
	[tilespmem:v5+s4+$0x0] =	vst.idx.add.f32.msk @!p0 $0xffff, v8  }
0x79: {  	s6 =	sshll.u32 s1, $0x7;
	s19 =	simm.s32 $0x80;
	[tilespmem:v6+s4+$0x0] =	vst.idx.add.f32.msk @!p0 $0xffff, v8  }
0x7a: {  	s20 =	simm.s32 $0x400;
	s7 =	simm.s32 $0x9D00;
	s5 =	sshrl.u32 s5, $0x2;
	[tilespmem:v7+s4+$0x0] =	vst.idx.add.f32.msk @!p0 $0xffff, v8  }
0x7b: {  	s18 =	sand.u32 $0x380, s6;
	s5 =	sadd.s32 s5, s3;
	_ =	strace $0x90000049  }
0x7c: {  	s21 =	simm.s32 $0x4;
	s4 =	sadd.s32 s18, s5;
	_ =	strace $0x8000004A  }
0x7d: {  	[spmem:s4] =	stream.strided.scatter [tilespmem:s7], [sflag:$0x4], $0x2800, s20, s19, $0x200038;
	[tilespmem:$0x11780] =	vst v63  }
0x7e: {  	_ =	swait.ge [sflag:s21], $0x2800  }
0x7f: {  	[sflag:s21] =	ssyncset.done $0x0  }
0x80: {  	s22 =	smul.u32 $0x5000, s1;
	[sflag:s21] =	ssyncadd.s32 $0xFFFFD800  }
0x81: {  	s24 =	simm.s32 $0x1400;
	[bflag:$0x0] =	sbarrier.arrive $0xFFFF  }
0x82: {  	s25 =	simm.s32 $0x14000;
	s5 =	sshrl.u32 s22, $0x2;
	_ =	strace $0x9000004A  }
0x83: {  	s26 =	simm.s32 $0xED00;
	s23 =	sadd.s32 s5, s3;
	_ =	strace $0x8000004B  }
0x84: {  	[tilespmem:s26], [sflag:$0x4] =	stream.strided.gather [spmem:s23], $0x2800, s25, s24, $0x200038;
	[tilespmem:$0x11780] =	vst v63  }
0x85: {  	_ =	swait.ge [sflag:s21], $0x2800  }
0x86: {  	[sflag:s21] =	ssyncset.done $0x0  }
0x87: {  	s28 =	simm.s32 $0x0;
	[sflag:s21] =	ssyncadd.s32 $0xFFFFD800  }
0x88: {  	s29 =	sand.u32 $0x70, s28;
	s3 =	sand.u32 $0x1C00, s28;
	_ =	strace $0x9000004B  }
0x89: {  	s3 =	sor.u32 s29, s3;
	_ =	strace $0x8000004C  }
0x8a: {  	v0 =	vld [tilespmem:s3+$0xED00];
	_ =	sdelay $0x1  }
0x8b: {  	v1 =	vld [tilespmem:s3+$0xED80];
	_ =	sdelay $0x1  }
0x8c: {  	v2 =	vld [tilespmem:s3+$0xEE00]  }
0x8d: {  	v0 =	vadd.f32 $1.000000000e+00, v0  }
0x8e: {  	v3 =	vld [tilespmem:s3+$0xEE80]  }
0x8f: {  	v0 =	vadd.f32 v1, v0  }
0x90: {  	v1 =	vld [tilespmem:s3+$0xEF00]  }
0x91: {  	v0 =	vadd.f32 v2, v0  }
0x92: {  	v2 =	vld [tilespmem:s3+$0xEF80]  }
0x93: {  	v0 =	vadd.f32 v3, v0  }
0x94: {  	v3 =	vld [tilespmem:s3+$0xF000]  }
0x95: {  	v0 =	vadd.f32 v1, v0  }
0x96: {  	v1 =	vld [tilespmem:s3+$0xF080]  }
0x97: {  	v0 =	vadd.f32 v2, v0  }
0x98: {  	v2 =	vld [tilespmem:s3+$0x10100]  }
0x99: {  	v0 =	vadd.f32 v3, v0  }
0x9a: {  	v3 =	vld [tilespmem:s3+$0x10180]  }
0x9b: {  	v0 =	vadd.f32 v1, v0  }
0x9c: {  	v1 =	vld [tilespmem:s3+$0x10200]  }
0x9d: {  	v0 =	vadd.f32 v2, v0  }
0x9e: {  	v2 =	vld [tilespmem:s3+$0x10280]  }
0x9f: {  	v0 =	vadd.f32 v3, v0  }
0xa0: {  	v3 =	vld [tilespmem:s3+$0x10300]  }
0xa1: {  	v0 =	vadd.f32 v1, v0  }
0xa2: {  	v1 =	vld [tilespmem:s3+$0x10380]  }
0xa3: {  	v0 =	vadd.f32 v2, v0  }
0xa4: {  	v2 =	vld [tilespmem:s3+$0x10400]  }
0xa5: {  	v0 =	vadd.f32 v3, v0  }
0xa6: {  	v3 =	vld [tilespmem:s3+$0x10480]  }
0xa7: {  	v0 =	vadd.f32 v1, v0;
	_ =	sdelay $0x1  }
0xa8: {  	v0 =	vadd.f32 v2, v0  }
0xa9: {  	s30 =	smul.u32 $0x50, s1;
	s31 =	simm.s32 $0x10;
	s5 =	simm.s32 $0x80  }
0xaa: {  	s6 =	simm.s32 $0x20;
	s8 =	sand.u32 $0x1C00, s5;
	s4 =	simm.s32 $0x11500;
	v0 =	vadd.f32 v3, v0  }
0xab: {  	s7 =	sand.u32 $0x70, s31;
	s3 =	sadd.s32 s2, s30;
	s2 =	sadd.s32 $0x4B0, s2  }
.LBB2_7:
0xac: {  	p0 =	sne.s32 s6, $0x270;
	s7 =	sor.u32 s7, s8;
	[tilespmem:s4+$0x0] =	vst v0  }
0xad: {  	v0 =	vld [tilespmem:s7+$0xED00];
	_ =	sdelay $0x1  }
0xae: {  	v1 =	vld [tilespmem:s7+$0xED80];
	_ =	sdelay $0x1  }
0xaf: {  	v2 =	vld [tilespmem:s7+$0xEE00]  }
0xb0: {  	v0 =	vadd.f32 $1.000000000e+00, v0  }
0xb1: {  	v3 =	vld [tilespmem:s7+$0xEE80]  }
0xb2: {  	v0 =	vadd.f32 v1, v0  }
0xb3: {  	v1 =	vld [tilespmem:s7+$0xEF00]  }
0xb4: {  	v0 =	vadd.f32 v2, v0  }
0xb5: {  	v2 =	vld [tilespmem:s7+$0xEF80]  }
0xb6: {  	v0 =	vadd.f32 v3, v0  }
0xb7: {  	v3 =	vld [tilespmem:s7+$0xF000]  }
0xb8: {  	v0 =	vadd.f32 v1, v0  }
0xb9: {  	v1 =	vld [tilespmem:s7+$0xF080]  }
0xba: {  	v0 =	vadd.f32 v2, v0  }
0xbb: {  	v2 =	vld [tilespmem:s7+$0x10100]  }
0xbc: {  	v0 =	vadd.f32 v3, v0  }
0xbd: {  	v3 =	vld [tilespmem:s7+$0x10180]  }
0xbe: {  	v0 =	vadd.f32 v1, v0  }
0xbf: {  	v1 =	vld [tilespmem:s7+$0x10200]  }
0xc0: {  	v0 =	vadd.f32 v2, v0  }
0xc1: {  	v2 =	vld [tilespmem:s7+$0x10280]  }
0xc2: {  	v0 =	vadd.f32 v3, v0  }
0xc3: {  	v3 =	vld [tilespmem:s7+$0x10300]  }
0xc4: {  	v0 =	vadd.f32 v1, v0  }
0xc5: {  	v1 =	vld [tilespmem:s7+$0x10380]  }
0xc6: {  	v0 =	vadd.f32 v2, v0  }
0xc7: {  	v2 =	vld [tilespmem:s7+$0x10400]  }
0xc8: {  	v0 =	vadd.f32 v3, v0  }
0xc9: {  	v3 =	vld [tilespmem:s7+$0x10480]  }
0xca: {  	v0 =	vadd.f32 v1, v0  }
.Ltmp3:
0xcb: {  	(pc) =	sbr.rel @p0 .LBB2_7-.Ltmp3, $3  }
0xcc: {  	v0 =	vadd.f32 v2, v0;
	_ =	sdelay $0x1  }
0xcd: {  	s5 =	sadd.s32 $0x80, s5;
	s4 =	sadd.s32 $0x10, s4;
	v0 =	vadd.f32 v3, v0  }
0xce: {  	s8 =	sand.u32 $0x1C00, s5;
	s7 =	sand.u32 $0x70, s6;
	s6 =	sadd.s32 $0x10, s6  }
0xcf: {  	s5 =	sor.u32 s7, s8;
	[tilespmem:s4+$0x0] =	vst v0  }
0xd0: {  	v0 =	vld [tilespmem:s5+$0xED00];
	_ =	sdelay $0x1  }
0xd1: {  	v1 =	vld [tilespmem:s5+$0xED80];
	_ =	sdelay $0x1  }
0xd2: {  	v2 =	vld [tilespmem:s5+$0xEE00]  }
0xd3: {  	v0 =	vadd.f32 $1.000000000e+00, v0  }
0xd4: {  	v3 =	vld [tilespmem:s5+$0xEE80]  }
0xd5: {  	v0 =	vadd.f32 v1, v0  }
0xd6: {  	v52 =	vld [tilespmem:s5+$0xEF00]  }
0xd7: {  	v0 =	vadd.f32 v2, v0  }
0xd8: {  	v53 =	vld [tilespmem:s5+$0xEF80]  }
0xd9: {  	v0 =	vadd.f32 v3, v0  }
0xda: {  	v54 =	vld [tilespmem:s5+$0xF000]  }
0xdb: {  	v0 =	vadd.f32 v52, v0  }
0xdc: {  	v55 =	vld [tilespmem:s5+$0xF080]  }
0xdd: {  	v0 =	vadd.f32 v53, v0  }
0xde: {  	v56 =	vld [tilespmem:s5+$0x10100]  }
0xdf: {  	v0 =	vadd.f32 v54, v0  }
0xe0: {  	v57 =	vld [tilespmem:s5+$0x10180]  }
0xe1: {  	v0 =	vadd.f32 v55, v0  }
0xe2: {  	v58 =	vld [tilespmem:s5+$0x10200]  }
0xe3: {  	v0 =	vadd.f32 v56, v0  }
0xe4: {  	v59 =	vld [tilespmem:s5+$0x10280]  }
0xe5: {  	v0 =	vadd.f32 v57, v0  }
0xe6: {  	v60 =	vld [tilespmem:s5+$0x10300]  }
0xe7: {  	v0 =	vadd.f32 v58, v0  }
0xe8: {  	v61 =	vld [tilespmem:s5+$0x10380]  }
0xe9: {  	v0 =	vadd.f32 v59, v0  }
0xea: {  	v62 =	vld [tilespmem:s5+$0x10400]  }
0xeb: {  	v0 =	vadd.f32 v60, v0  }
0xec: {  	v63 =	vld [tilespmem:s5+$0x10480]  }
0xed: {  	v0 =	vadd.f32 v61, v0;
	_ =	sdelay $0x1  }
0xee: {  	v0 =	vadd.f32 v62, v0;
	_ =	sdelay $0x1  }
0xef: {  	v0 =	vadd.f32 v63, v0  }
0xf0: {  	s31 =	sadd.s32 $0x10, s4  }
0xf1: {  	[tilespmem:s31+$0x0] =	vst v0  }
0xf2: {  	p0 =	seq.s32 s1, $0xF;
	_ =	strace $0x9000004C  }
0xf3: {  	s4 =	simm.s32 @p0 $0x0;
	s5 =	simm.s32 @p0 $0x11500;
	_ =	strace $0x8000004D  }
0xf4: {  	[hbm4b:s2+s4] =	stream.linear.scatter @p0 [tilespmem:s5], [sflag:$0x4], $0x190, $0x200038;
	[tilespmem:$0x11780] =	vst v63  }
0xf5: {  	s2 =	simm.s32 @p0 $0x4  }
0xf6: {  	_ =	swait.ge @p0 [sflag:s2], $0x190  }
0xf7: {  	[sflag:s2] =	ssyncset.done @p0 $0x0  }
0xf8: {  	s4 =	simm.s32 @!p0 $0x11500;
	[sflag:s2] =	ssyncadd.s32 @p0 $0xFFFFFE70;
	s2 =	simm.s32 @!p0 $0x0  }
0xf9: {  	[hbm4b:s3+s2] =	stream.linear.scatter @!p0 [tilespmem:s4], [sflag:$0x4], $0x280, $0x200038;
	[tilespmem:$0x11780] =	vst v63  }
0xfa: {  	s2 =	simm.s32 @!p0 $0x4  }
0xfb: {  	_ =	swait.ge @!p0 [sflag:s2], $0x280  }
0xfc: {  	[sflag:s2] =	ssyncset.done @!p0 $0x0  }
0xfd: {  	[sflag:s2] =	ssyncadd.s32 @!p0 $0xFFFFFD80  }
0xfe: {  	_ =	strace $0x9000004D  }
0xff: {  	_ =	sfence.sel $0x180000  }
0x100: {  	[bflag:$0x0] =	sbarrier.arrive $0xFFFF  }
0x101: {  	p0 =	sne.s32 s1, $0x0;
	_ =	strace $0x90000047  }
0x102: {  	s0 =	sadd.s32 @!p0 $0x100000, s0;
	[bflag:$0x2] =	sbarrier.arrive $0xFFFF  }
0x103: {  	[sflag:s0] =	ssyncadd.tile.s32 @!p0 $0x1;
	_ =	shalt  }
.Lfunc_end2:
_tile_overlayer_lowered:
.L_overlay_start_2:
0x104: {  	(tag) =	ssettag $0x2  }
0x105: {  	s0 =	rddreg [dreg:$0x0];
	s2 =	stileid.u32  }
0x106: {  	s1 =	rddreg [dreg:$0x1];
	p0 =	sne.s32 s2, $0x0  }
0x107: {  	s3 =	rddreg [dreg:$0x2];
	[bflag:$0x3] =	sbarrier.arrive $0xFFFF;
	s2 =	simm.s32 @!p0 $0x1C04  }
0x108: {  	[timem:s3], [sflag:s2] =	dma.local @!p0 [hbm:s0], s1  }
0x109: {  	s0 =	simm.s32 @!p0 $0x4  }
0x10a: {  	_ =	swait.ge @!p0 [sflag:s0], s1  }
0x10b: {  	s1 =	ssub.s32 @!p0 $0x0, s1;
	[sflag:s0] =	ssyncset.done @!p0 $0x0  }
0x10c: {  	[sflag:s0] =	ssyncadd.s32 @!p0 s1  }
0x10d: {  	[bflag:$0x3] =	sbarrier.arrive $0xFFFF  }
0x10e: {  	_ =	shalt  }

</sc_bundles>
